<compile_context>
chip_gen: v7x
topology: tpu7x:2x2x1
jax: 0.10.2.dev20260603
libtpu: 0.0.44.dev20260713+nightly
codegen_flags: <defaults>
</compile_context>

<pallas_src>
import jax
import jax.numpy as jnp
from jax import lax
from jax.experimental import pallas as pl
from jax.experimental.pallas import tpu as pltpu
from jax.experimental.pallas import tpu_sc as plsc

E = 8
N = 8192
D = 1024
L = 16
NC = 2
NS = 16
NW = NC * NS
BW = N // NW
C = 8
NCHUNK = BW // C
NBUF = 4
NSLICE = D // L


def _fuse_body(table, gates, out, gates_v, idx_v, w0_v, w1_v,
               rows, out_v, gsem0, gsem1, gsem2, gsem3,
               osem0, osem1, osem2, osem3):
  wid = lax.axis_index("s") * NC + lax.axis_index("c")
  base = wid * BW

  pltpu.sync_copy(gates.at[pl.ds(base * E, BW * E)], gates_v)

  lanes = lax.iota(jnp.int32, L)

  def route(tb, c):
    tok = tb * L + lanes
    g = [plsc.load_gather(gates_v, [tok * E + e]) for e in range(E)]
    m1 = g[0]
    for e in range(1, E):
      m1 = jnp.maximum(m1, g[e])
    i1 = jnp.full((L,), E, jnp.int32)
    for e in range(E - 1, -1, -1):
      i1 = jnp.where(g[e] == m1, jnp.int32(e), i1)
    neg = jnp.float32(-jnp.inf)
    g2 = [jnp.where(i1 == e, neg, g[e]) for e in range(E)]
    m2 = g2[0]
    for e in range(1, E):
      m2 = jnp.maximum(m2, g2[e])
    i2 = jnp.full((L,), E, jnp.int32)
    for e in range(E - 1, -1, -1):
      i2 = jnp.where(g2[e] == m2, jnp.int32(e), i2)
    s = m1 + m2 + jnp.float32(1e-8)
    off = tb * L
    w0_v[pl.ds(off, L)] = m1 / s
    w1_v[pl.ds(off, L)] = m2 / s
    plsc.store_scatter(idx_v, [tok * 2], i1 * N + base + tok)
    plsc.store_scatter(idx_v, [tok * 2 + 1], i2 * N + base + tok)
    return c

  gsems = (gsem0, gsem1, gsem2, gsem3)
  osems = (osem0, osem1, osem2, osem3)

  def issue_gather(cc, b):
    iv = idx_v.at[pl.ds(cc * 2 * C, 2 * C)]
    pltpu.async_copy(table.at[iv], rows.at[b], gsems[b])

  def wait_gather(cc, b):
    iv = idx_v.at[pl.ds(cc * 2 * C, 2 * C)]
    pltpu.make_async_copy(table.at[iv], rows.at[b], gsems[b]).wait()

  def out_slice(cc):
    return out.at[pl.ds(base + cc * C, C)]

  lax.fori_loop(0, 2, route, 0)
  for b in range(NBUF):
    issue_gather(b, b)
  lax.fori_loop(2, BW // L, route, 0)

  def step(gg, c):
    for b in range(NBUF):
      cc = gg * NBUF + b
      wait_gather(cc, b)

      @pl.when(gg > 0)
      def _():
        pltpu.make_async_copy(out_v.at[b], out_slice(cc - NBUF),
                              osems[b]).wait()

      rb = rows.at[b]
      ob = out_v.at[b]

      def token(t, c2):
        widx = cc * C + t
        w0s = plsc.load_gather(w0_v, [jnp.full((L,), widx, jnp.int32)])
        w1s = plsc.load_gather(w1_v, [jnp.full((L,), widx, jnp.int32)])

        @plsc.parallel_loop(0, NSLICE, unroll=8)
        def _(sidx):
          sl = pl.ds(sidx * L, L)
          ob[t, sl] = w0s * rb[2 * t, sl] + w1s * rb[2 * t + 1, sl]

        return c2

      lax.fori_loop(0, C, token, 0)

      @pl.when(cc + NBUF < NCHUNK)
      def _():
        issue_gather(cc + NBUF, b)

      pltpu.async_copy(ob, out_slice(cc), osems[b])
    return c

  lax.fori_loop(0, NCHUNK // NBUF, step, 0)

  for b in range(NBUF):
    pltpu.make_async_copy(out_v.at[b], out_slice(NCHUNK - NBUF + b),
                          osems[b]).wait()


def kernel(expert_outputs, gate_outputs):
  table = expert_outputs.reshape(E * N, D)
  gates_flat = gate_outputs.reshape(N * E)
  mesh = plsc.VectorSubcoreMesh(core_axis_name="c", subcore_axis_name="s")
  fn = pl.kernel(
      _fuse_body,
      out_type=jax.ShapeDtypeStruct((N, D), jnp.float32),
      mesh=mesh,
      compiler_params=pltpu.CompilerParams(needs_layout_passes=False),
      scratch_types=[
          pltpu.VMEM((BW * E,), jnp.float32),
          pltpu.VMEM((2 * BW,), jnp.int32),
          pltpu.VMEM((BW,), jnp.float32),
          pltpu.VMEM((BW,), jnp.float32),
          pltpu.VMEM((NBUF, 2 * C, D), jnp.float32),
          pltpu.VMEM((NBUF, C, D), jnp.float32),
          pltpu.SemaphoreType.DMA,
          pltpu.SemaphoreType.DMA,
          pltpu.SemaphoreType.DMA,
          pltpu.SemaphoreType.DMA,
          pltpu.SemaphoreType.DMA,
          pltpu.SemaphoreType.DMA,
          pltpu.SemaphoreType.DMA,
          pltpu.SemaphoreType.DMA,
      ],
  )
  return fn(table, gates_flat)

# --- scband reference (transcript-rebuilt; emitter-appended) ---
"""Pipeline reference for scband-fusion-mechanism-82033875354178 (READ-ONLY COPY).

The authoritative reference and input builder live on the scoring server;
editing this copy changes nothing except your own understanding.
"""

import jax, jax.numpy as jnp
import numpy as np

TOP_K = 2

def setup_inputs(seed: int = 0) -> dict:
    key = jax.random.key(seed)
    k1, k2 = jax.random.split(key)
    expert_outputs = jax.random.normal(k1, (8, 8192, 1024), dtype=jnp.float32)
    gate_outputs = jax.random.uniform(k2, (8192, 8), dtype=jnp.float32)
    return {"expert_outputs": expert_outputs, "gate_outputs": gate_outputs}

def reference(expert_outputs, gate_outputs):
    # expert_outputs: [E, N, d] (stacked list of expert tensors)
    # gate_outputs:   [N, E]
    E = gate_outputs.shape[1]
    # top-k selection over experts
    _, indices = jax.lax.top_k(gate_outputs, TOP_K)  # [N, k]
    mask = jnp.sum(jax.nn.one_hot(indices, E, dtype=gate_outputs.dtype), axis=1)  # [N, E]
    sparse_gates = gate_outputs * mask
    normalized_gates = sparse_gates / (jnp.sum(sparse_gates, axis=1, keepdims=True) + 1e-8)
    # fused = sum_i expert_outputs[i] * normalized_gates[:, i:i+1]
    fused_output = jnp.einsum('ne,end->nd', normalized_gates, expert_outputs)
    return fused_output

if __name__ == "__main__":
    import jax
    _d = setup_inputs()
    print(jax.jit(kernel)(*tuple(_d.values())))

</pallas_src>

<mosaic_0001>
#map = affine_map<(d0, d1) -> (0, 0)>
#map1 = affine_map<(d0, d1) -> (0)>
module attributes {stable_mosaic.version = 14 : i64} {
  func.func @_fuse_body(%arg0: i32, %arg1: i32, %arg2: memref<65536x1024xf32, #tpu.memory_space<hbm>>, %arg3: memref<65536xf32, #tpu.memory_space<hbm>>, %arg4: memref<8192x1024xf32, #tpu.memory_space<hbm>>, %arg5: memref<2048xf32, #tpu.memory_space<vmem>>, %arg6: memref<512xi32, #tpu.memory_space<vmem>>, %arg7: memref<256xf32, #tpu.memory_space<vmem>>, %arg8: memref<256xf32, #tpu.memory_space<vmem>>, %arg9: memref<4x16x1024xf32, #tpu.memory_space<vmem>>, %arg10: memref<4x8x1024xf32, #tpu.memory_space<vmem>>, %arg11: memref<!tpu.dma_semaphore, #tpu.memory_space<semaphore_mem>>, %arg12: memref<!tpu.dma_semaphore, #tpu.memory_space<semaphore_mem>>, %arg13: memref<!tpu.dma_semaphore, #tpu.memory_space<semaphore_mem>>, %arg14: memref<!tpu.dma_semaphore, #tpu.memory_space<semaphore_mem>>, %arg15: memref<!tpu.dma_semaphore, #tpu.memory_space<semaphore_mem>>, %arg16: memref<!tpu.dma_semaphore, #tpu.memory_space<semaphore_mem>>, %arg17: memref<!tpu.dma_semaphore, #tpu.memory_space<semaphore_mem>>, %arg18: memref<!tpu.dma_semaphore, #tpu.memory_space<semaphore_mem>>) attributes {dimension_semantics = [#tpu.dimension_semantics<core_parallel>, #tpu.dimension_semantics<subcore_parallel>], iteration_bounds = array<i64: 2, 16>, scalar_prefetch = 0 : i64, scratch_operands = 14 : i64, tpu.core_type = #tpu.core_type<sc_vector_subcore>, window_params = [{transform_indices = #map}, {transform_indices = #map1}, {transform_indices = #map}]} {
    %mul3A = arith.constant 2 : i32
    %mul3A_0 = arith.muli %arg1, %mul3A : i32
    %add3A = arith.addi %mul3A_0, %arg0 : i32
    %mul3A_1 = arith.constant 256 : i32
    %mul3A_2 = arith.muli %add3A, %mul3A_1 : i32
    %mul3A_3 = arith.constant 8 : i32
    %mul3A_4 = arith.muli %mul3A_2, %mul3A_3 : i32
    "tpu.region"() ({
      %run_scoped3A = tpu.sem_alloc : memref<!tpu.dma_semaphore, #tpu.memory_space<semaphore_mem>>
      %dma_start3A_120 = tpu.memref_slice %arg3[%mul3A_4] : memref<65536xf32, #tpu.memory_space<hbm>> -> memref<2048xf32, #tpu.memory_space<hbm>>
      %dma_start3A_121 = tpu.memref_slice %arg3[%mul3A_4] : memref<65536xf32, #tpu.memory_space<hbm>> -> memref<2048xf32, #tpu.memory_space<hbm>>
      tpu.enqueue_dma source(%dma_start3A_121 : memref<2048xf32, #tpu.memory_space<hbm>>) target(%arg5 : memref<2048xf32, #tpu.memory_space<vmem>>) target_semaphore(%run_scoped3A : memref<!tpu.dma_semaphore, #tpu.memory_space<semaphore_mem>>)
      %dma_wait3A_122 = tpu.memref_slice %arg3[%mul3A_4] : memref<65536xf32, #tpu.memory_space<hbm>> -> memref<2048xf32, #tpu.memory_space<hbm>>
      %dma_wait3A_123 = tpu.memref_slice %arg3[%mul3A_4] : memref<65536xf32, #tpu.memory_space<hbm>> -> memref<2048xf32, #tpu.memory_space<hbm>>
      tpu.wait_dma2 semaphore(%run_scoped3A : memref<!tpu.dma_semaphore, #tpu.memory_space<semaphore_mem>>) src(%dma_wait3A_123 : memref<2048xf32, #tpu.memory_space<hbm>>) dst(%arg5 : memref<2048xf32, #tpu.memory_space<vmem>>)
      tpu.yield
    }) : () -> ()
    %iota3A = tpu.iota {dimensions = array<i32: 0>} : vector<16xi32>
    %scan3A = arith.constant 0 : i32
    %scan3A_5 = arith.constant 0 : i32
    %scan3A_6 = arith.constant 2 : i32
    %scan3A_7 = arith.addi %scan3A_5, %scan3A_6 : i32
    %scan3A_8 = arith.constant 1 : i32
    scf.for %scan3A_120 = %scan3A_5 to %scan3A_7 step %scan3A_8  : i32 {
      %mul3A_121 = arith.constant 16 : i32
      %mul3A_122 = arith.muli %scan3A_120, %mul3A_121 : i32
      %add3A_123 = vector.broadcast %mul3A_122 : i32 to vector<16xi32>
      %add3A_124 = arith.addi %add3A_123, %iota3A : vector<16xi32>
      %mul3A_125 = arith.constant 8 : i32
      %mul3A_126 = vector.broadcast %mul3A_125 : i32 to vector<16xi32>
      %mul3A_127 = arith.muli %add3A_124, %mul3A_126 : vector<16xi32>
      %add3A_128 = arith.constant 0 : i32
      %add3A_129 = vector.broadcast %add3A_128 : i32 to vector<16xi32>
      %add3A_130 = arith.addi %mul3A_127, %add3A_129 : vector<16xi32>
      %gather3A = tpu.vector_load_idx %arg5[%add3A_130] : memref<2048xf32, #tpu.memory_space<vmem>>[vector<16xi32>], vector<16xf32>,
      %mul3A_131 = arith.constant 8 : i32
      %mul3A_132 = vector.broadcast %mul3A_131 : i32 to vector<16xi32>
      %mul3A_133 = arith.muli %add3A_124, %mul3A_132 : vector<16xi32>
      %add3A_134 = arith.constant 1 : i32
      %add3A_135 = vector.broadcast %add3A_134 : i32 to vector<16xi32>
      %add3A_136 = arith.addi %mul3A_133, %add3A_135 : vector<16xi32>
      %gather3A_137 = tpu.vector_load_idx %arg5[%add3A_136] : memref<2048xf32, #tpu.memory_space<vmem>>[vector<16xi32>], vector<16xf32>,
      %mul3A_138 = arith.constant 8 : i32
      %mul3A_139 = vector.broadcast %mul3A_138 : i32 to vector<16xi32>
      %mul3A_140 = arith.muli %add3A_124, %mul3A_139 : vector<16xi32>
      %add3A_141 = arith.constant 2 : i32
      %add3A_142 = vector.broadcast %add3A_141 : i32 to vector<16xi32>
      %add3A_143 = arith.addi %mul3A_140, %add3A_142 : vector<16xi32>
      %gather3A_144 = tpu.vector_load_idx %arg5[%add3A_143] : memref<2048xf32, #tpu.memory_space<vmem>>[vector<16xi32>], vector<16xf32>,
      %mul3A_145 = arith.constant 8 : i32
      %mul3A_146 = vector.broadcast %mul3A_145 : i32 to vector<16xi32>
      %mul3A_147 = arith.muli %add3A_124, %mul3A_146 : vector<16xi32>
      %add3A_148 = arith.constant 3 : i32
      %add3A_149 = vector.broadcast %add3A_148 : i32 to vector<16xi32>
      %add3A_150 = arith.addi %mul3A_147, %add3A_149 : vector<16xi32>
      %gather3A_151 = tpu.vector_load_idx %arg5[%add3A_150] : memref<2048xf32, #tpu.memory_space<vmem>>[vector<16xi32>], vector<16xf32>,
      %mul3A_152 = arith.constant 8 : i32
      %mul3A_153 = vector.broadcast %mul3A_152 : i32 to vector<16xi32>
      %mul3A_154 = arith.muli %add3A_124, %mul3A_153 : vector<16xi32>
      %add3A_155 = arith.constant 4 : i32
      %add3A_156 = vector.broadcast %add3A_155 : i32 to vector<16xi32>
      %add3A_157 = arith.addi %mul3A_154, %add3A_156 : vector<16xi32>
      %gather3A_158 = tpu.vector_load_idx %arg5[%add3A_157] : memref<2048xf32, #tpu.memory_space<vmem>>[vector<16xi32>], vector<16xf32>,
      %mul3A_159 = arith.constant 8 : i32
      %mul3A_160 = vector.broadcast %mul3A_159 : i32 to vector<16xi32>
      %mul3A_161 = arith.muli %add3A_124, %mul3A_160 : vector<16xi32>
      %add3A_162 = arith.constant 5 : i32
      %add3A_163 = vector.broadcast %add3A_162 : i32 to vector<16xi32>
      %add3A_164 = arith.addi %mul3A_161, %add3A_163 : vector<16xi32>
      %gather3A_165 = tpu.vector_load_idx %arg5[%add3A_164] : memref<2048xf32, #tpu.memory_space<vmem>>[vector<16xi32>], vector<16xf32>,
      %mul3A_166 = arith.constant 8 : i32
      %mul3A_167 = vector.broadcast %mul3A_166 : i32 to vector<16xi32>
      %mul3A_168 = arith.muli %add3A_124, %mul3A_167 : vector<16xi32>
      %add3A_169 = arith.constant 6 : i32
      %add3A_170 = vector.broadcast %add3A_169 : i32 to vector<16xi32>
      %add3A_171 = arith.addi %mul3A_168, %add3A_170 : vector<16xi32>
      %gather3A_172 = tpu.vector_load_idx %arg5[%add3A_171] : memref<2048xf32, #tpu.memory_space<vmem>>[vector<16xi32>], vector<16xf32>,
      %mul3A_173 = arith.constant 8 : i32
      %mul3A_174 = vector.broadcast %mul3A_173 : i32 to vector<16xi32>
      %mul3A_175 = arith.muli %add3A_124, %mul3A_174 : vector<16xi32>
      %add3A_176 = arith.constant 7 : i32
      %add3A_177 = vector.broadcast %add3A_176 : i32 to vector<16xi32>
      %add3A_178 = arith.addi %mul3A_175, %add3A_177 : vector<16xi32>
      %gather3A_179 = tpu.vector_load_idx %arg5[%add3A_178] : memref<2048xf32, #tpu.memory_space<vmem>>[vector<16xi32>], vector<16xf32>,
      %max3A = arith.maximumf %gather3A, %gather3A_137 : vector<16xf32>
      %max3A_180 = arith.maximumf %max3A, %gather3A_144 : vector<16xf32>
      %max3A_181 = arith.maximumf %max3A_180, %gather3A_151 : vector<16xf32>
      %max3A_182 = arith.maximumf %max3A_181, %gather3A_158 : vector<16xf32>
      %max3A_183 = arith.maximumf %max3A_182, %gather3A_165 : vector<16xf32>
      %max3A_184 = arith.maximumf %max3A_183, %gather3A_172 : vector<16xf32>
      %max3A_185 = arith.maximumf %max3A_184, %gather3A_179 : vector<16xf32>
      %broadcast_in_dim3A = arith.constant 8 : i32
      %broadcast_in_dim3A_186 = vector.broadcast %broadcast_in_dim3A : i32 to vector<16xi32>
      %eq3A = arith.cmpf oeq, %gather3A_179, %max3A_185 : vector<16xf32>
      %jit3A = arith.constant 7 : i32
      %broadcast_in_dim3A_187 = vector.broadcast %jit3A : i32 to vector<16xi32>
      %select_n3A = arith.select %eq3A, %broadcast_in_dim3A_187, %broadcast_in_dim3A_186 : vector<16xi1>, vector<16xi32>
      %eq3A_188 = arith.cmpf oeq, %gather3A_172, %max3A_185 : vector<16xf32>
      %jit3A_189 = arith.constant 6 : i32
      %broadcast_in_dim3A_190 = vector.broadcast %jit3A_189 : i32 to vector<16xi32>
      %select_n3A_191 = arith.select %eq3A_188, %broadcast_in_dim3A_190, %select_n3A : vector<16xi1>, vector<16xi32>
      %eq3A_192 = arith.cmpf oeq, %gather3A_165, %max3A_185 : vector<16xf32>
      %jit3A_193 = arith.constant 5 : i32
      %broadcast_in_dim3A_194 = vector.broadcast %jit3A_193 : i32 to vector<16xi32>
      %select_n3A_195 = arith.select %eq3A_192, %broadcast_in_dim3A_194, %select_n3A_191 : vector<16xi1>, vector<16xi32>
      %eq3A_196 = arith.cmpf oeq, %gather3A_158, %max3A_185 : vector<16xf32>
      %jit3A_197 = arith.constant 4 : i32
      %broadcast_in_dim3A_198 = vector.broadcast %jit3A_197 : i32 to vector<16xi32>
      %select_n3A_199 = arith.select %eq3A_196, %broadcast_in_dim3A_198, %select_n3A_195 : vector<16xi1>, vector<16xi32>
      %eq3A_200 = arith.cmpf oeq, %gather3A_151, %max3A_185 : vector<16xf32>
      %jit3A_201 = arith.constant 3 : i32
      %broadcast_in_dim3A_202 = vector.broadcast %jit3A_201 : i32 to vector<16xi32>
      %select_n3A_203 = arith.select %eq3A_200, %broadcast_in_dim3A_202, %select_n3A_199 : vector<16xi1>, vector<16xi32>
      %eq3A_204 = arith.cmpf oeq, %gather3A_144, %max3A_185 : vector<16xf32>
      %jit3A_205 = arith.constant 2 : i32
      %broadcast_in_dim3A_206 = vector.broadcast %jit3A_205 : i32 to vector<16xi32>
      %select_n3A_207 = arith.select %eq3A_204, %broadcast_in_dim3A_206, %select_n3A_203 : vector<16xi1>, vector<16xi32>
      %eq3A_208 = arith.cmpf oeq, %gather3A_137, %max3A_185 : vector<16xf32>
      %jit3A_209 = arith.constant 1 : i32
      %broadcast_in_dim3A_210 = vector.broadcast %jit3A_209 : i32 to vector<16xi32>
      %select_n3A_211 = arith.select %eq3A_208, %broadcast_in_dim3A_210, %select_n3A_207 : vector<16xi1>, vector<16xi32>
      %eq3A_212 = arith.cmpf oeq, %gather3A, %max3A_185 : vector<16xf32>
      %jit3A_213 = arith.constant 0 : i32
      %broadcast_in_dim3A_214 = vector.broadcast %jit3A_213 : i32 to vector<16xi32>
      %select_n3A_215 = arith.select %eq3A_212, %broadcast_in_dim3A_214, %select_n3A_211 : vector<16xi1>, vector<16xi32>
      %eq3A_216 = arith.constant 0 : i32
      %eq3A_217 = vector.broadcast %eq3A_216 : i32 to vector<16xi32>
      %eq3A_218 = arith.cmpi eq, %select_n3A_215, %eq3A_217 : vector<16xi32>
      %jit3A_219 = arith.constant 0xFF800000 : f32
      %broadcast_in_dim3A_220 = vector.broadcast %jit3A_219 : f32 to vector<16xf32>
      %select_n3A_221 = arith.select %eq3A_218, %broadcast_in_dim3A_220, %gather3A : vector<16xi1>, vector<16xf32>
      %eq3A_222 = arith.constant 1 : i32
      %eq3A_223 = vector.broadcast %eq3A_222 : i32 to vector<16xi32>
      %eq3A_224 = arith.cmpi eq, %select_n3A_215, %eq3A_223 : vector<16xi32>
      %jit3A_225 = arith.constant 0xFF800000 : f32
      %broadcast_in_dim3A_226 = vector.broadcast %jit3A_225 : f32 to vector<16xf32>
      %select_n3A_227 = arith.select %eq3A_224, %broadcast_in_dim3A_226, %gather3A_137 : vector<16xi1>, vector<16xf32>
      %eq3A_228 = arith.constant 2 : i32
      %eq3A_229 = vector.broadcast %eq3A_228 : i32 to vector<16xi32>
      %eq3A_230 = arith.cmpi eq, %select_n3A_215, %eq3A_229 : vector<16xi32>
      %jit3A_231 = arith.constant 0xFF800000 : f32
      %broadcast_in_dim3A_232 = vector.broadcast %jit3A_231 : f32 to vector<16xf32>
      %select_n3A_233 = arith.select %eq3A_230, %broadcast_in_dim3A_232, %gather3A_144 : vector<16xi1>, vector<16xf32>
      %eq3A_234 = arith.constant 3 : i32
      %eq3A_235 = vector.broadcast %eq3A_234 : i32 to vector<16xi32>
      %eq3A_236 = arith.cmpi eq, %select_n3A_215, %eq3A_235 : vector<16xi32>
      %jit3A_237 = arith.constant 0xFF800000 : f32
      %broadcast_in_dim3A_238 = vector.broadcast %jit3A_237 : f32 to vector<16xf32>
      %select_n3A_239 = arith.select %eq3A_236, %broadcast_in_dim3A_238, %gather3A_151 : vector<16xi1>, vector<16xf32>
      %eq3A_240 = arith.constant 4 : i32
      %eq3A_241 = vector.broadcast %eq3A_240 : i32 to vector<16xi32>
      %eq3A_242 = arith.cmpi eq, %select_n3A_215, %eq3A_241 : vector<16xi32>
      %jit3A_243 = arith.constant 0xFF800000 : f32
      %broadcast_in_dim3A_244 = vector.broadcast %jit3A_243 : f32 to vector<16xf32>
      %select_n3A_245 = arith.select %eq3A_242, %broadcast_in_dim3A_244, %gather3A_158 : vector<16xi1>, vector<16xf32>
      %eq3A_246 = arith.constant 5 : i32
      %eq3A_247 = vector.broadcast %eq3A_246 : i32 to vector<16xi32>
      %eq3A_248 = arith.cmpi eq, %select_n3A_215, %eq3A_247 : vector<16xi32>
      %jit3A_249 = arith.constant 0xFF800000 : f32
      %broadcast_in_dim3A_250 = vector.broadcast %jit3A_249 : f32 to vector<16xf32>
      %select_n3A_251 = arith.select %eq3A_248, %broadcast_in_dim3A_250, %gather3A_165 : vector<16xi1>, vector<16xf32>
      %eq3A_252 = arith.constant 6 : i32
      %eq3A_253 = vector.broadcast %eq3A_252 : i32 to vector<16xi32>
      %eq3A_254 = arith.cmpi eq, %select_n3A_215, %eq3A_253 : vector<16xi32>
      %jit3A_255 = arith.constant 0xFF800000 : f32
      %broadcast_in_dim3A_256 = vector.broadcast %jit3A_255 : f32 to vector<16xf32>
      %select_n3A_257 = arith.select %eq3A_254, %broadcast_in_dim3A_256, %gather3A_172 : vector<16xi1>, vector<16xf32>
      %eq3A_258 = arith.constant 7 : i32
      %eq3A_259 = vector.broadcast %eq3A_258 : i32 to vector<16xi32>
      %eq3A_260 = arith.cmpi eq, %select_n3A_215, %eq3A_259 : vector<16xi32>
      %jit3A_261 = arith.constant 0xFF800000 : f32
      %broadcast_in_dim3A_262 = vector.broadcast %jit3A_261 : f32 to vector<16xf32>
      %select_n3A_263 = arith.select %eq3A_260, %broadcast_in_dim3A_262, %gather3A_179 : vector<16xi1>, vector<16xf32>
      %max3A_264 = arith.maximumf %select_n3A_221, %select_n3A_227 : vector<16xf32>
      %max3A_265 = arith.maximumf %max3A_264, %select_n3A_233 : vector<16xf32>
      %max3A_266 = arith.maximumf %max3A_265, %select_n3A_239 : vector<16xf32>
      %max3A_267 = arith.maximumf %max3A_266, %select_n3A_245 : vector<16xf32>
      %max3A_268 = arith.maximumf %max3A_267, %select_n3A_251 : vector<16xf32>
      %max3A_269 = arith.maximumf %max3A_268, %select_n3A_257 : vector<16xf32>
      %max3A_270 = arith.maximumf %max3A_269, %select_n3A_263 : vector<16xf32>
      %broadcast_in_dim3A_271 = arith.constant 8 : i32
      %broadcast_in_dim3A_272 = vector.broadcast %broadcast_in_dim3A_271 : i32 to vector<16xi32>
      %eq3A_273 = arith.cmpf oeq, %select_n3A_263, %max3A_270 : vector<16xf32>
      %jit3A_274 = arith.constant 7 : i32
      %broadcast_in_dim3A_275 = vector.broadcast %jit3A_274 : i32 to vector<16xi32>
      %select_n3A_276 = arith.select %eq3A_273, %broadcast_in_dim3A_275, %broadcast_in_dim3A_272 : vector<16xi1>, vector<16xi32>
      %eq3A_277 = arith.cmpf oeq, %select_n3A_257, %max3A_270 : vector<16xf32>
      %jit3A_278 = arith.constant 6 : i32
      %broadcast_in_dim3A_279 = vector.broadcast %jit3A_278 : i32 to vector<16xi32>
      %select_n3A_280 = arith.select %eq3A_277, %broadcast_in_dim3A_279, %select_n3A_276 : vector<16xi1>, vector<16xi32>
      %eq3A_281 = arith.cmpf oeq, %select_n3A_251, %max3A_270 : vector<16xf32>
      %jit3A_282 = arith.constant 5 : i32
      %broadcast_in_dim3A_283 = vector.broadcast %jit3A_282 : i32 to vector<16xi32>
      %select_n3A_284 = arith.select %eq3A_281, %broadcast_in_dim3A_283, %select_n3A_280 : vector<16xi1>, vector<16xi32>
      %eq3A_285 = arith.cmpf oeq, %select_n3A_245, %max3A_270 : vector<16xf32>
      %jit3A_286 = arith.constant 4 : i32
      %broadcast_in_dim3A_287 = vector.broadcast %jit3A_286 : i32 to vector<16xi32>
      %select_n3A_288 = arith.select %eq3A_285, %broadcast_in_dim3A_287, %select_n3A_284 : vector<16xi1>, vector<16xi32>
      %eq3A_289 = arith.cmpf oeq, %select_n3A_239, %max3A_270 : vector<16xf32>
      %jit3A_290 = arith.constant 3 : i32
      %broadcast_in_dim3A_291 = vector.broadcast %jit3A_290 : i32 to vector<16xi32>
      %select_n3A_292 = arith.select %eq3A_289, %broadcast_in_dim3A_291, %select_n3A_288 : vector<16xi1>, vector<16xi32>
      %eq3A_293 = arith.cmpf oeq, %select_n3A_233, %max3A_270 : vector<16xf32>
      %jit3A_294 = arith.constant 2 : i32
      %broadcast_in_dim3A_295 = vector.broadcast %jit3A_294 : i32 to vector<16xi32>
      %select_n3A_296 = arith.select %eq3A_293, %broadcast_in_dim3A_295, %select_n3A_292 : vector<16xi1>, vector<16xi32>
      %eq3A_297 = arith.cmpf oeq, %select_n3A_227, %max3A_270 : vector<16xf32>
      %jit3A_298 = arith.constant 1 : i32
      %broadcast_in_dim3A_299 = vector.broadcast %jit3A_298 : i32 to vector<16xi32>
      %select_n3A_300 = arith.select %eq3A_297, %broadcast_in_dim3A_299, %select_n3A_296 : vector<16xi1>, vector<16xi32>
      %eq3A_301 = arith.cmpf oeq, %select_n3A_221, %max3A_270 : vector<16xf32>
      %jit3A_302 = arith.constant 0 : i32
      %broadcast_in_dim3A_303 = vector.broadcast %jit3A_302 : i32 to vector<16xi32>
      %select_n3A_304 = arith.select %eq3A_301, %broadcast_in_dim3A_303, %select_n3A_300 : vector<16xi1>, vector<16xi32>
      %add3A_305 = arith.addf %max3A_185, %max3A_270 : vector<16xf32>
      %add3A_306 = arith.constant 9.99999993E-9 : f32
      %add3A_307 = vector.broadcast %add3A_306 : f32 to vector<16xf32>
      %add3A_308 = arith.addf %add3A_305, %add3A_307 : vector<16xf32>
      %mul3A_309 = arith.constant 16 : i32
      %mul3A_310 = arith.muli %scan3A_120, %mul3A_309 : i32
      %div3A = arith.divf %max3A_185, %add3A_308 : vector<16xf32>
      %swap3A = arith.index_cast %mul3A_310 : i32 to index
      %swap3A_311 = tpu.vector_load %arg7[%swap3A] {strides = array<i32>} : memref<256xf32, #tpu.memory_space<vmem>>, vector<16xf32>,
      tpu.vector_store %arg7[%swap3A], %div3A {strides = array<i32>} : memref<256xf32, #tpu.memory_space<vmem>>, vector<16xf32>,
      %div3A_312 = arith.divf %max3A_270, %add3A_308 : vector<16xf32>
      %swap3A_313 = arith.index_cast %mul3A_310 : i32 to index
      %swap3A_314 = tpu.vector_load %arg8[%swap3A_313] {strides = array<i32>} : memref<256xf32, #tpu.memory_space<vmem>>, vector<16xf32>,
      tpu.vector_store %arg8[%swap3A_313], %div3A_312 {strides = array<i32>} : memref<256xf32, #tpu.memory_space<vmem>>, vector<16xf32>,
      %mul3A_315 = arith.constant 2 : i32
      %mul3A_316 = vector.broadcast %mul3A_315 : i32 to vector<16xi32>
      %mul3A_317 = arith.muli %add3A_124, %mul3A_316 : vector<16xi32>
      %mul3A_318 = arith.constant 8192 : i32
      %mul3A_319 = vector.broadcast %mul3A_318 : i32 to vector<16xi32>
      %mul3A_320 = arith.muli %select_n3A_215, %mul3A_319 : vector<16xi32>
      %add3A_321 = vector.broadcast %mul3A_2 : i32 to vector<16xi32>
      %add3A_322 = arith.addi %mul3A_320, %add3A_321 : vector<16xi32>
      %add3A_323 = arith.addi %add3A_322, %add3A_124 : vector<16xi32>
      tpu.vector_store_idx %arg6[%mul3A_317], %add3A_323 : memref<512xi32, #tpu.memory_space<vmem>>[vector<16xi32>], vector<16xi32>,
      %mul3A_324 = arith.constant 2 : i32
      %mul3A_325 = vector.broadcast %mul3A_324 : i32 to vector<16xi32>
      %mul3A_326 = arith.muli %add3A_124, %mul3A_325 : vector<16xi32>
      %add3A_327 = arith.constant 1 : i32
      %add3A_328 = vector.broadcast %add3A_327 : i32 to vector<16xi32>
      %add3A_329 = arith.addi %mul3A_326, %add3A_328 : vector<16xi32>
      %mul3A_330 = arith.constant 8192 : i32
      %mul3A_331 = vector.broadcast %mul3A_330 : i32 to vector<16xi32>
      %mul3A_332 = arith.muli %select_n3A_304, %mul3A_331 : vector<16xi32>
      %add3A_333 = vector.broadcast %mul3A_2 : i32 to vector<16xi32>
      %add3A_334 = arith.addi %mul3A_332, %add3A_333 : vector<16xi32>
      %add3A_335 = arith.addi %add3A_334, %add3A_124 : vector<16xi32>
      tpu.vector_store_idx %arg6[%add3A_329], %add3A_335 : memref<512xi32, #tpu.memory_space<vmem>>[vector<16xi32>], vector<16xi32>,
    }
    %scan3A_9 = arith.constant 2 : i32
    %dma_start3A = arith.constant 0 : i32
    %dma_start3A_10 = arith.constant 0 : i32
    %dma_start3A_11 = arith.constant 0 : i32
    %dma_start3A_12 = tpu.memref_slice %arg9[%dma_start3A, %dma_start3A_10, %dma_start3A_11] : memref<4x16x1024xf32, #tpu.memory_space<vmem>> -> memref<1x16x1024xf32, #tpu.memory_space<vmem>>
    %dma_start3A_13 = tpu.memref_squeeze %dma_start3A_12 : memref<1x16x1024xf32, #tpu.memory_space<vmem>> -> memref<16x1024xf32, #tpu.memory_space<vmem>>
    %dma_start3A_14 = arith.constant 0 : i32
    %dma_start3A_15 = tpu.memref_slice %arg6[%dma_start3A_14] : memref<512xi32, #tpu.memory_space<vmem>> -> memref<16xi32, #tpu.memory_space<vmem>>
    %dma_start3A_16 = arith.constant 0 : i32
    %dma_start3A_17 = arith.constant 0 : i32
    %dma_start3A_18 = tpu.memref_slice %arg2[%dma_start3A_16, %dma_start3A_17] : memref<65536x1024xf32, #tpu.memory_space<hbm>> -> memref<65536x1024xf32, #tpu.memory_space<hbm>>
    tpu.enqueue_indirect_dma source(%dma_start3A_18 : memref<65536x1024xf32, #tpu.memory_space<hbm>>) target(%dma_start3A_13 : memref<16x1024xf32, #tpu.memory_space<vmem>>) offsets(%dma_start3A_15 : memref<16xi32, #tpu.memory_space<vmem>>) semaphore(%arg11 : memref<!tpu.dma_semaphore, #tpu.memory_space<semaphore_mem>>)
    %dma_start3A_19 = arith.constant 1 : i32
    %dma_start3A_20 = arith.constant 0 : i32
    %dma_start3A_21 = arith.constant 0 : i32
    %dma_start3A_22 = tpu.memref_slice %arg9[%dma_start3A_19, %dma_start3A_20, %dma_start3A_21] : memref<4x16x1024xf32, #tpu.memory_space<vmem>> -> memref<1x16x1024xf32, #tpu.memory_space<vmem>>
    %dma_start3A_23 = tpu.memref_squeeze %dma_start3A_22 : memref<1x16x1024xf32, #tpu.memory_space<vmem>> -> memref<16x1024xf32, #tpu.memory_space<vmem>>
    %dma_start3A_24 = arith.constant 16 : i32
    %dma_start3A_25 = tpu.memref_slice %arg6[%dma_start3A_24] : memref<512xi32, #tpu.memory_space<vmem>> -> memref<16xi32, #tpu.memory_space<vmem>>
    %dma_start3A_26 = arith.constant 0 : i32
    %dma_start3A_27 = arith.constant 0 : i32
    %dma_start3A_28 = tpu.memref_slice %arg2[%dma_start3A_26, %dma_start3A_27] : memref<65536x1024xf32, #tpu.memory_space<hbm>> -> memref<65536x1024xf32, #tpu.memory_space<hbm>>
    tpu.enqueue_indirect_dma source(%dma_start3A_28 : memref<65536x1024xf32, #tpu.memory_space<hbm>>) target(%dma_start3A_23 : memref<16x1024xf32, #tpu.memory_space<vmem>>) offsets(%dma_start3A_25 : memref<16xi32, #tpu.memory_space<vmem>>) semaphore(%arg12 : memref<!tpu.dma_semaphore, #tpu.memory_space<semaphore_mem>>)
    %dma_start3A_29 = arith.constant 2 : i32
    %dma_start3A_30 = arith.constant 0 : i32
    %dma_start3A_31 = arith.constant 0 : i32
    %dma_start3A_32 = tpu.memref_slice %arg9[%dma_start3A_29, %dma_start3A_30, %dma_start3A_31] : memref<4x16x1024xf32, #tpu.memory_space<vmem>> -> memref<1x16x1024xf32, #tpu.memory_space<vmem>>
    %dma_start3A_33 = tpu.memref_squeeze %dma_start3A_32 : memref<1x16x1024xf32, #tpu.memory_space<vmem>> -> memref<16x1024xf32, #tpu.memory_space<vmem>>
    %dma_start3A_34 = arith.constant 32 : i32
    %dma_start3A_35 = tpu.memref_slice %arg6[%dma_start3A_34] : memref<512xi32, #tpu.memory_space<vmem>> -> memref<16xi32, #tpu.memory_space<vmem>>
    %dma_start3A_36 = arith.constant 0 : i32
    %dma_start3A_37 = arith.constant 0 : i32
    %dma_start3A_38 = tpu.memref_slice %arg2[%dma_start3A_36, %dma_start3A_37] : memref<65536x1024xf32, #tpu.memory_space<hbm>> -> memref<65536x1024xf32, #tpu.memory_space<hbm>>
    tpu.enqueue_indirect_dma source(%dma_start3A_38 : memref<65536x1024xf32, #tpu.memory_space<hbm>>) target(%dma_start3A_33 : memref<16x1024xf32, #tpu.memory_space<vmem>>) offsets(%dma_start3A_35 : memref<16xi32, #tpu.memory_space<vmem>>) semaphore(%arg13 : memref<!tpu.dma_semaphore, #tpu.memory_space<semaphore_mem>>)
    %dma_start3A_39 = arith.constant 3 : i32
    %dma_start3A_40 = arith.constant 0 : i32
    %dma_start3A_41 = arith.constant 0 : i32
    %dma_start3A_42 = tpu.memref_slice %arg9[%dma_start3A_39, %dma_start3A_40, %dma_start3A_41] : memref<4x16x1024xf32, #tpu.memory_space<vmem>> -> memref<1x16x1024xf32, #tpu.memory_space<vmem>>
    %dma_start3A_43 = tpu.memref_squeeze %dma_start3A_42 : memref<1x16x1024xf32, #tpu.memory_space<vmem>> -> memref<16x1024xf32, #tpu.memory_space<vmem>>
    %dma_start3A_44 = arith.constant 48 : i32
    %dma_start3A_45 = tpu.memref_slice %arg6[%dma_start3A_44] : memref<512xi32, #tpu.memory_space<vmem>> -> memref<16xi32, #tpu.memory_space<vmem>>
    %dma_start3A_46 = arith.constant 0 : i32
    %dma_start3A_47 = arith.constant 0 : i32
    %dma_start3A_48 = tpu.memref_slice %arg2[%dma_start3A_46, %dma_start3A_47] : memref<65536x1024xf32, #tpu.memory_space<hbm>> -> memref<65536x1024xf32, #tpu.memory_space<hbm>>
    tpu.enqueue_indirect_dma source(%dma_start3A_48 : memref<65536x1024xf32, #tpu.memory_space<hbm>>) target(%dma_start3A_43 : memref<16x1024xf32, #tpu.memory_space<vmem>>) offsets(%dma_start3A_45 : memref<16xi32, #tpu.memory_space<vmem>>) semaphore(%arg14 : memref<!tpu.dma_semaphore, #tpu.memory_space<semaphore_mem>>)
    %scan3A_49 = arith.constant 0 : i32
    %scan3A_50 = arith.constant 2 : i32
    %scan3A_51 = arith.constant 14 : i32
    %scan3A_52 = arith.addi %scan3A_50, %scan3A_51 : i32
    %scan3A_53 = arith.constant 1 : i32
    scf.for %scan3A_120 = %scan3A_50 to %scan3A_52 step %scan3A_53  : i32 {
      %mul3A_121 = arith.constant 16 : i32
      %mul3A_122 = arith.muli %scan3A_120, %mul3A_121 : i32
      %add3A_123 = vector.broadcast %mul3A_122 : i32 to vector<16xi32>
      %add3A_124 = arith.addi %add3A_123, %iota3A : vector<16xi32>
      %mul3A_125 = arith.constant 8 : i32
      %mul3A_126 = vector.broadcast %mul3A_125 : i32 to vector<16xi32>
      %mul3A_127 = arith.muli %add3A_124, %mul3A_126 : vector<16xi32>
      %add3A_128 = arith.constant 0 : i32
      %add3A_129 = vector.broadcast %add3A_128 : i32 to vector<16xi32>
      %add3A_130 = arith.addi %mul3A_127, %add3A_129 : vector<16xi32>
      %gather3A = tpu.vector_load_idx %arg5[%add3A_130] : memref<2048xf32, #tpu.memory_space<vmem>>[vector<16xi32>], vector<16xf32>,
      %mul3A_131 = arith.constant 8 : i32
      %mul3A_132 = vector.broadcast %mul3A_131 : i32 to vector<16xi32>
      %mul3A_133 = arith.muli %add3A_124, %mul3A_132 : vector<16xi32>
      %add3A_134 = arith.constant 1 : i32
      %add3A_135 = vector.broadcast %add3A_134 : i32 to vector<16xi32>
      %add3A_136 = arith.addi %mul3A_133, %add3A_135 : vector<16xi32>
      %gather3A_137 = tpu.vector_load_idx %arg5[%add3A_136] : memref<2048xf32, #tpu.memory_space<vmem>>[vector<16xi32>], vector<16xf32>,
      %mul3A_138 = arith.constant 8 : i32
      %mul3A_139 = vector.broadcast %mul3A_138 : i32 to vector<16xi32>
      %mul3A_140 = arith.muli %add3A_124, %mul3A_139 : vector<16xi32>
      %add3A_141 = arith.constant 2 : i32
      %add3A_142 = vector.broadcast %add3A_141 : i32 to vector<16xi32>
      %add3A_143 = arith.addi %mul3A_140, %add3A_142 : vector<16xi32>
      %gather3A_144 = tpu.vector_load_idx %arg5[%add3A_143] : memref<2048xf32, #tpu.memory_space<vmem>>[vector<16xi32>], vector<16xf32>,
      %mul3A_145 = arith.constant 8 : i32
      %mul3A_146 = vector.broadcast %mul3A_145 : i32 to vector<16xi32>
      %mul3A_147 = arith.muli %add3A_124, %mul3A_146 : vector<16xi32>
      %add3A_148 = arith.constant 3 : i32
      %add3A_149 = vector.broadcast %add3A_148 : i32 to vector<16xi32>
      %add3A_150 = arith.addi %mul3A_147, %add3A_149 : vector<16xi32>
      %gather3A_151 = tpu.vector_load_idx %arg5[%add3A_150] : memref<2048xf32, #tpu.memory_space<vmem>>[vector<16xi32>], vector<16xf32>,
      %mul3A_152 = arith.constant 8 : i32
      %mul3A_153 = vector.broadcast %mul3A_152 : i32 to vector<16xi32>
      %mul3A_154 = arith.muli %add3A_124, %mul3A_153 : vector<16xi32>
      %add3A_155 = arith.constant 4 : i32
      %add3A_156 = vector.broadcast %add3A_155 : i32 to vector<16xi32>
      %add3A_157 = arith.addi %mul3A_154, %add3A_156 : vector<16xi32>
      %gather3A_158 = tpu.vector_load_idx %arg5[%add3A_157] : memref<2048xf32, #tpu.memory_space<vmem>>[vector<16xi32>], vector<16xf32>,
      %mul3A_159 = arith.constant 8 : i32
      %mul3A_160 = vector.broadcast %mul3A_159 : i32 to vector<16xi32>
      %mul3A_161 = arith.muli %add3A_124, %mul3A_160 : vector<16xi32>
      %add3A_162 = arith.constant 5 : i32
      %add3A_163 = vector.broadcast %add3A_162 : i32 to vector<16xi32>
      %add3A_164 = arith.addi %mul3A_161, %add3A_163 : vector<16xi32>
      %gather3A_165 = tpu.vector_load_idx %arg5[%add3A_164] : memref<2048xf32, #tpu.memory_space<vmem>>[vector<16xi32>], vector<16xf32>,
      %mul3A_166 = arith.constant 8 : i32
      %mul3A_167 = vector.broadcast %mul3A_166 : i32 to vector<16xi32>
      %mul3A_168 = arith.muli %add3A_124, %mul3A_167 : vector<16xi32>
      %add3A_169 = arith.constant 6 : i32
      %add3A_170 = vector.broadcast %add3A_169 : i32 to vector<16xi32>
      %add3A_171 = arith.addi %mul3A_168, %add3A_170 : vector<16xi32>
      %gather3A_172 = tpu.vector_load_idx %arg5[%add3A_171] : memref<2048xf32, #tpu.memory_space<vmem>>[vector<16xi32>], vector<16xf32>,
      %mul3A_173 = arith.constant 8 : i32
      %mul3A_174 = vector.broadcast %mul3A_173 : i32 to vector<16xi32>
      %mul3A_175 = arith.muli %add3A_124, %mul3A_174 : vector<16xi32>
      %add3A_176 = arith.constant 7 : i32
      %add3A_177 = vector.broadcast %add3A_176 : i32 to vector<16xi32>
      %add3A_178 = arith.addi %mul3A_175, %add3A_177 : vector<16xi32>
      %gather3A_179 = tpu.vector_load_idx %arg5[%add3A_178] : memref<2048xf32, #tpu.memory_space<vmem>>[vector<16xi32>], vector<16xf32>,
      %max3A = arith.maximumf %gather3A, %gather3A_137 : vector<16xf32>
      %max3A_180 = arith.maximumf %max3A, %gather3A_144 : vector<16xf32>
      %max3A_181 = arith.maximumf %max3A_180, %gather3A_151 : vector<16xf32>
      %max3A_182 = arith.maximumf %max3A_181, %gather3A_158 : vector<16xf32>
      %max3A_183 = arith.maximumf %max3A_182, %gather3A_165 : vector<16xf32>
      %max3A_184 = arith.maximumf %max3A_183, %gather3A_172 : vector<16xf32>
      %max3A_185 = arith.maximumf %max3A_184, %gather3A_179 : vector<16xf32>
      %broadcast_in_dim3A = arith.constant 8 : i32
      %broadcast_in_dim3A_186 = vector.broadcast %broadcast_in_dim3A : i32 to vector<16xi32>
      %eq3A = arith.cmpf oeq, %gather3A_179, %max3A_185 : vector<16xf32>
      %jit3A = arith.constant 7 : i32
      %broadcast_in_dim3A_187 = vector.broadcast %jit3A : i32 to vector<16xi32>
      %select_n3A = arith.select %eq3A, %broadcast_in_dim3A_187, %broadcast_in_dim3A_186 : vector<16xi1>, vector<16xi32>
      %eq3A_188 = arith.cmpf oeq, %gather3A_172, %max3A_185 : vector<16xf32>
      %jit3A_189 = arith.constant 6 : i32
      %broadcast_in_dim3A_190 = vector.broadcast %jit3A_189 : i32 to vector<16xi32>
      %select_n3A_191 = arith.select %eq3A_188, %broadcast_in_dim3A_190, %select_n3A : vector<16xi1>, vector<16xi32>
      %eq3A_192 = arith.cmpf oeq, %gather3A_165, %max3A_185 : vector<16xf32>
      %jit3A_193 = arith.constant 5 : i32
      %broadcast_in_dim3A_194 = vector.broadcast %jit3A_193 : i32 to vector<16xi32>
      %select_n3A_195 = arith.select %eq3A_192, %broadcast_in_dim3A_194, %select_n3A_191 : vector<16xi1>, vector<16xi32>
      %eq3A_196 = arith.cmpf oeq, %gather3A_158, %max3A_185 : vector<16xf32>
      %jit3A_197 = arith.constant 4 : i32
      %broadcast_in_dim3A_198 = vector.broadcast %jit3A_197 : i32 to vector<16xi32>
      %select_n3A_199 = arith.select %eq3A_196, %broadcast_in_dim3A_198, %select_n3A_195 : vector<16xi1>, vector<16xi32>
      %eq3A_200 = arith.cmpf oeq, %gather3A_151, %max3A_185 : vector<16xf32>
      %jit3A_201 = arith.constant 3 : i32
      %broadcast_in_dim3A_202 = vector.broadcast %jit3A_201 : i32 to vector<16xi32>
      %select_n3A_203 = arith.select %eq3A_200, %broadcast_in_dim3A_202, %select_n3A_199 : vector<16xi1>, vector<16xi32>
      %eq3A_204 = arith.cmpf oeq, %gather3A_144, %max3A_185 : vector<16xf32>
      %jit3A_205 = arith.constant 2 : i32
      %broadcast_in_dim3A_206 = vector.broadcast %jit3A_205 : i32 to vector<16xi32>
      %select_n3A_207 = arith.select %eq3A_204, %broadcast_in_dim3A_206, %select_n3A_203 : vector<16xi1>, vector<16xi32>
      %eq3A_208 = arith.cmpf oeq, %gather3A_137, %max3A_185 : vector<16xf32>
      %jit3A_209 = arith.constant 1 : i32
      %broadcast_in_dim3A_210 = vector.broadcast %jit3A_209 : i32 to vector<16xi32>
      %select_n3A_211 = arith.select %eq3A_208, %broadcast_in_dim3A_210, %select_n3A_207 : vector<16xi1>, vector<16xi32>
      %eq3A_212 = arith.cmpf oeq, %gather3A, %max3A_185 : vector<16xf32>
      %jit3A_213 = arith.constant 0 : i32
      %broadcast_in_dim3A_214 = vector.broadcast %jit3A_213 : i32 to vector<16xi32>
      %select_n3A_215 = arith.select %eq3A_212, %broadcast_in_dim3A_214, %select_n3A_211 : vector<16xi1>, vector<16xi32>
      %eq3A_216 = arith.constant 0 : i32
      %eq3A_217 = vector.broadcast %eq3A_216 : i32 to vector<16xi32>
      %eq3A_218 = arith.cmpi eq, %select_n3A_215, %eq3A_217 : vector<16xi32>
      %jit3A_219 = arith.constant 0xFF800000 : f32
      %broadcast_in_dim3A_220 = vector.broadcast %jit3A_219 : f32 to vector<16xf32>
      %select_n3A_221 = arith.select %eq3A_218, %broadcast_in_dim3A_220, %gather3A : vector<16xi1>, vector<16xf32>
      %eq3A_222 = arith.constant 1 : i32
      %eq3A_223 = vector.broadcast %eq3A_222 : i32 to vector<16xi32>
      %eq3A_224 = arith.cmpi eq, %select_n3A_215, %eq3A_223 : vector<16xi32>
      %jit3A_225 = arith.constant 0xFF800000 : f32
      %broadcast_in_dim3A_226 = vector.broadcast %jit3A_225 : f32 to vector<16xf32>
      %select_n3A_227 = arith.select %eq3A_224, %broadcast_in_dim3A_226, %gather3A_137 : vector<16xi1>, vector<16xf32>
      %eq3A_228 = arith.constant 2 : i32
      %eq3A_229 = vector.broadcast %eq3A_228 : i32 to vector<16xi32>
      %eq3A_230 = arith.cmpi eq, %select_n3A_215, %eq3A_229 : vector<16xi32>
      %jit3A_231 = arith.constant 0xFF800000 : f32
      %broadcast_in_dim3A_232 = vector.broadcast %jit3A_231 : f32 to vector<16xf32>
      %select_n3A_233 = arith.select %eq3A_230, %broadcast_in_dim3A_232, %gather3A_144 : vector<16xi1>, vector<16xf32>
      %eq3A_234 = arith.constant 3 : i32
      %eq3A_235 = vector.broadcast %eq3A_234 : i32 to vector<16xi32>
      %eq3A_236 = arith.cmpi eq, %select_n3A_215, %eq3A_235 : vector<16xi32>
      %jit3A_237 = arith.constant 0xFF800000 : f32
      %broadcast_in_dim3A_238 = vector.broadcast %jit3A_237 : f32 to vector<16xf32>
      %select_n3A_239 = arith.select %eq3A_236, %broadcast_in_dim3A_238, %gather3A_151 : vector<16xi1>, vector<16xf32>
      %eq3A_240 = arith.constant 4 : i32
      %eq3A_241 = vector.broadcast %eq3A_240 : i32 to vector<16xi32>
      %eq3A_242 = arith.cmpi eq, %select_n3A_215, %eq3A_241 : vector<16xi32>
      %jit3A_243 = arith.constant 0xFF800000 : f32
      %broadcast_in_dim3A_244 = vector.broadcast %jit3A_243 : f32 to vector<16xf32>
      %select_n3A_245 = arith.select %eq3A_242, %broadcast_in_dim3A_244, %gather3A_158 : vector<16xi1>, vector<16xf32>
      %eq3A_246 = arith.constant 5 : i32
      %eq3A_247 = vector.broadcast %eq3A_246 : i32 to vector<16xi32>
      %eq3A_248 = arith.cmpi eq, %select_n3A_215, %eq3A_247 : vector<16xi32>
      %jit3A_249 = arith.constant 0xFF800000 : f32
      %broadcast_in_dim3A_250 = vector.broadcast %jit3A_249 : f32 to vector<16xf32>
      %select_n3A_251 = arith.select %eq3A_248, %broadcast_in_dim3A_250, %gather3A_165 : vector<16xi1>, vector<16xf32>
      %eq3A_252 = arith.constant 6 : i32
      %eq3A_253 = vector.broadcast %eq3A_252 : i32 to vector<16xi32>
      %eq3A_254 = arith.cmpi eq, %select_n3A_215, %eq3A_253 : vector<16xi32>
      %jit3A_255 = arith.constant 0xFF800000 : f32
      %broadcast_in_dim3A_256 = vector.broadcast %jit3A_255 : f32 to vector<16xf32>
      %select_n3A_257 = arith.select %eq3A_254, %broadcast_in_dim3A_256, %gather3A_172 : vector<16xi1>, vector<16xf32>
      %eq3A_258 = arith.constant 7 : i32
      %eq3A_259 = vector.broadcast %eq3A_258 : i32 to vector<16xi32>
      %eq3A_260 = arith.cmpi eq, %select_n3A_215, %eq3A_259 : vector<16xi32>
      %jit3A_261 = arith.constant 0xFF800000 : f32
      %broadcast_in_dim3A_262 = vector.broadcast %jit3A_261 : f32 to vector<16xf32>
      %select_n3A_263 = arith.select %eq3A_260, %broadcast_in_dim3A_262, %gather3A_179 : vector<16xi1>, vector<16xf32>
      %max3A_264 = arith.maximumf %select_n3A_221, %select_n3A_227 : vector<16xf32>
      %max3A_265 = arith.maximumf %max3A_264, %select_n3A_233 : vector<16xf32>
      %max3A_266 = arith.maximumf %max3A_265, %select_n3A_239 : vector<16xf32>
      %max3A_267 = arith.maximumf %max3A_266, %select_n3A_245 : vector<16xf32>
      %max3A_268 = arith.maximumf %max3A_267, %select_n3A_251 : vector<16xf32>
      %max3A_269 = arith.maximumf %max3A_268, %select_n3A_257 : vector<16xf32>
      %max3A_270 = arith.maximumf %max3A_269, %select_n3A_263 : vector<16xf32>
      %broadcast_in_dim3A_271 = arith.constant 8 : i32
      %broadcast_in_dim3A_272 = vector.broadcast %broadcast_in_dim3A_271 : i32 to vector<16xi32>
      %eq3A_273 = arith.cmpf oeq, %select_n3A_263, %max3A_270 : vector<16xf32>
      %jit3A_274 = arith.constant 7 : i32
      %broadcast_in_dim3A_275 = vector.broadcast %jit3A_274 : i32 to vector<16xi32>
      %select_n3A_276 = arith.select %eq3A_273, %broadcast_in_dim3A_275, %broadcast_in_dim3A_272 : vector<16xi1>, vector<16xi32>
      %eq3A_277 = arith.cmpf oeq, %select_n3A_257, %max3A_270 : vector<16xf32>
      %jit3A_278 = arith.constant 6 : i32
      %broadcast_in_dim3A_279 = vector.broadcast %jit3A_278 : i32 to vector<16xi32>
      %select_n3A_280 = arith.select %eq3A_277, %broadcast_in_dim3A_279, %select_n3A_276 : vector<16xi1>, vector<16xi32>
      %eq3A_281 = arith.cmpf oeq, %select_n3A_251, %max3A_270 : vector<16xf32>
      %jit3A_282 = arith.constant 5 : i32
      %broadcast_in_dim3A_283 = vector.broadcast %jit3A_282 : i32 to vector<16xi32>
      %select_n3A_284 = arith.select %eq3A_281, %broadcast_in_dim3A_283, %select_n3A_280 : vector<16xi1>, vector<16xi32>
      %eq3A_285 = arith.cmpf oeq, %select_n3A_245, %max3A_270 : vector<16xf32>
      %jit3A_286 = arith.constant 4 : i32
      %broadcast_in_dim3A_287 = vector.broadcast %jit3A_286 : i32 to vector<16xi32>
      %select_n3A_288 = arith.select %eq3A_285, %broadcast_in_dim3A_287, %select_n3A_284 : vector<16xi1>, vector<16xi32>
      %eq3A_289 = arith.cmpf oeq, %select_n3A_239, %max3A_270 : vector<16xf32>
      %jit3A_290 = arith.constant 3 : i32
      %broadcast_in_dim3A_291 = vector.broadcast %jit3A_290 : i32 to vector<16xi32>
      %select_n3A_292 = arith.select %eq3A_289, %broadcast_in_dim3A_291, %select_n3A_288 : vector<16xi1>, vector<16xi32>
      %eq3A_293 = arith.cmpf oeq, %select_n3A_233, %max3A_270 : vector<16xf32>
      %jit3A_294 = arith.constant 2 : i32
      %broadcast_in_dim3A_295 = vector.broadcast %jit3A_294 : i32 to vector<16xi32>
      %select_n3A_296 = arith.select %eq3A_293, %broadcast_in_dim3A_295, %select_n3A_292 : vector<16xi1>, vector<16xi32>
      %eq3A_297 = arith.cmpf oeq, %select_n3A_227, %max3A_270 : vector<16xf32>
      %jit3A_298 = arith.constant 1 : i32
      %broadcast_in_dim3A_299 = vector.broadcast %jit3A_298 : i32 to vector<16xi32>
      %select_n3A_300 = arith.select %eq3A_297, %broadcast_in_dim3A_299, %select_n3A_296 : vector<16xi1>, vector<16xi32>
      %eq3A_301 = arith.cmpf oeq, %select_n3A_221, %max3A_270 : vector<16xf32>
      %jit3A_302 = arith.constant 0 : i32
      %broadcast_in_dim3A_303 = vector.broadcast %jit3A_302 : i32 to vector<16xi32>
      %select_n3A_304 = arith.select %eq3A_301, %broadcast_in_dim3A_303, %select_n3A_300 : vector<16xi1>, vector<16xi32>
      %add3A_305 = arith.addf %max3A_185, %max3A_270 : vector<16xf32>
      %add3A_306 = arith.constant 9.99999993E-9 : f32
      %add3A_307 = vector.broadcast %add3A_306 : f32 to vector<16xf32>
      %add3A_308 = arith.addf %add3A_305, %add3A_307 : vector<16xf32>
      %mul3A_309 = arith.constant 16 : i32
      %mul3A_310 = arith.muli %scan3A_120, %mul3A_309 : i32
      %div3A = arith.divf %max3A_185, %add3A_308 : vector<16xf32>
      %swap3A = arith.index_cast %mul3A_310 : i32 to index
      %swap3A_311 = tpu.vector_load %arg7[%swap3A] {strides = array<i32>} : memref<256xf32, #tpu.memory_space<vmem>>, vector<16xf32>,
      tpu.vector_store %arg7[%swap3A], %div3A {strides = array<i32>} : memref<256xf32, #tpu.memory_space<vmem>>, vector<16xf32>,
      %div3A_312 = arith.divf %max3A_270, %add3A_308 : vector<16xf32>
      %swap3A_313 = arith.index_cast %mul3A_310 : i32 to index
      %swap3A_314 = tpu.vector_load %arg8[%swap3A_313] {strides = array<i32>} : memref<256xf32, #tpu.memory_space<vmem>>, vector<16xf32>,
      tpu.vector_store %arg8[%swap3A_313], %div3A_312 {strides = array<i32>} : memref<256xf32, #tpu.memory_space<vmem>>, vector<16xf32>,
      %mul3A_315 = arith.constant 2 : i32
      %mul3A_316 = vector.broadcast %mul3A_315 : i32 to vector<16xi32>
      %mul3A_317 = arith.muli %add3A_124, %mul3A_316 : vector<16xi32>
      %mul3A_318 = arith.constant 8192 : i32
      %mul3A_319 = vector.broadcast %mul3A_318 : i32 to vector<16xi32>
      %mul3A_320 = arith.muli %select_n3A_215, %mul3A_319 : vector<16xi32>
      %add3A_321 = vector.broadcast %mul3A_2 : i32 to vector<16xi32>
      %add3A_322 = arith.addi %mul3A_320, %add3A_321 : vector<16xi32>
      %add3A_323 = arith.addi %add3A_322, %add3A_124 : vector<16xi32>
      tpu.vector_store_idx %arg6[%mul3A_317], %add3A_323 : memref<512xi32, #tpu.memory_space<vmem>>[vector<16xi32>], vector<16xi32>,
      %mul3A_324 = arith.constant 2 : i32
      %mul3A_325 = vector.broadcast %mul3A_324 : i32 to vector<16xi32>
      %mul3A_326 = arith.muli %add3A_124, %mul3A_325 : vector<16xi32>
      %add3A_327 = arith.constant 1 : i32
      %add3A_328 = vector.broadcast %add3A_327 : i32 to vector<16xi32>
      %add3A_329 = arith.addi %mul3A_326, %add3A_328 : vector<16xi32>
      %mul3A_330 = arith.constant 8192 : i32
      %mul3A_331 = vector.broadcast %mul3A_330 : i32 to vector<16xi32>
      %mul3A_332 = arith.muli %select_n3A_304, %mul3A_331 : vector<16xi32>
      %add3A_333 = vector.broadcast %mul3A_2 : i32 to vector<16xi32>
      %add3A_334 = arith.addi %mul3A_332, %add3A_333 : vector<16xi32>
      %add3A_335 = arith.addi %add3A_334, %add3A_124 : vector<16xi32>
      tpu.vector_store_idx %arg6[%add3A_329], %add3A_335 : memref<512xi32, #tpu.memory_space<vmem>>[vector<16xi32>], vector<16xi32>,
    }
    %scan3A_54 = arith.constant 14 : i32
    %scan3A_55 = arith.constant 0 : i32
    %scan3A_56 = arith.constant 0 : i32
    %scan3A_57 = arith.constant 8 : i32
    %scan3A_58 = arith.addi %scan3A_56, %scan3A_57 : i32
    %scan3A_59 = arith.constant 1 : i32
    scf.for %scan3A_120 = %scan3A_56 to %scan3A_58 step %scan3A_59  : i32 {
      %mul3A_121 = arith.constant 4 : i32
      %mul3A_122 = arith.muli %scan3A_120, %mul3A_121 : i32
      %add3A_123 = arith.constant 0 : i32
      %add3A_124 = arith.addi %mul3A_122, %add3A_123 : i32
      %mul3A_125 = arith.constant 2 : i32
      %mul3A_126 = arith.muli %add3A_124, %mul3A_125 : i32
      %mul3A_127 = arith.constant 8 : i32
      %mul3A_128 = arith.muli %mul3A_126, %mul3A_127 : i32
      %dma_wait3A_129 = arith.constant 0 : i32
      %dma_wait3A_130 = arith.constant 0 : i32
      %dma_wait3A_131 = arith.constant 0 : i32
      %dma_wait3A_132 = tpu.memref_slice %arg9[%dma_wait3A_129, %dma_wait3A_130, %dma_wait3A_131] : memref<4x16x1024xf32, #tpu.memory_space<vmem>> -> memref<1x16x1024xf32, #tpu.memory_space<vmem>>
      %dma_wait3A_133 = tpu.memref_squeeze %dma_wait3A_132 : memref<1x16x1024xf32, #tpu.memory_space<vmem>> -> memref<16x1024xf32, #tpu.memory_space<vmem>>
      %dma_wait3A_134 = tpu.memref_slice %arg6[%mul3A_128] : memref<512xi32, #tpu.memory_space<vmem>> -> memref<16xi32, #tpu.memory_space<vmem>>
      %dma_wait3A_135 = arith.constant 0 : i32
      %dma_wait3A_136 = arith.constant 0 : i32
      %dma_wait3A_137 = tpu.memref_slice %arg2[%dma_wait3A_135, %dma_wait3A_136] : memref<65536x1024xf32, #tpu.memory_space<hbm>> -> memref<65536x1024xf32, #tpu.memory_space<hbm>>
      tpu.wait_indirect_dma semaphore(%arg11 : memref<!tpu.dma_semaphore, #tpu.memory_space<semaphore_mem>>) src(%dma_wait3A_137 : memref<65536x1024xf32, #tpu.memory_space<hbm>>) dst(%dma_wait3A_133 : memref<16x1024xf32, #tpu.memory_space<vmem>>)
      %gt3A = arith.constant 0 : i32
      %gt3A_138 = arith.cmpi sgt, %scan3A_120, %gt3A : i32
      %convert_element_type3A = arith.extui %gt3A_138 : i1 to i32
      %cond3A = arith.constant 0 : i32
      %cond3A_139 = arith.cmpi ne, %convert_element_type3A, %cond3A : i32
      scf.if %cond3A_139 {
        %sub3A = arith.constant 4 : i32
        %sub3A_329 = arith.subi %add3A_124, %sub3A : i32
        %mul3A_330 = arith.constant 8 : i32
        %mul3A_331 = arith.muli %sub3A_329, %mul3A_330 : i32
        %add3A_332 = arith.addi %mul3A_2, %mul3A_331 : i32
        %dma_wait3A_333 = arith.constant 0 : i32
        %dma_wait3A_334 = arith.constant 0 : i32
        %dma_wait3A_335 = arith.constant 0 : i32
        %dma_wait3A_336 = tpu.memref_slice %arg10[%dma_wait3A_333, %dma_wait3A_334, %dma_wait3A_335] : memref<4x8x1024xf32, #tpu.memory_space<vmem>> -> memref<1x8x1024xf32, #tpu.memory_space<vmem>>
        %dma_wait3A_337 = tpu.memref_squeeze %dma_wait3A_336 : memref<1x8x1024xf32, #tpu.memory_space<vmem>> -> memref<8x1024xf32, #tpu.memory_space<vmem>>
        %dma_wait3A_338 = arith.constant 0 : i32
        %dma_wait3A_339 = tpu.memref_slice %arg4[%add3A_332, %dma_wait3A_338] : memref<8192x1024xf32, #tpu.memory_space<hbm>> -> memref<8x1024xf32, #tpu.memory_space<hbm>>
        %dma_wait3A_340 = arith.constant 0 : i32
        %dma_wait3A_341 = tpu.memref_slice %arg4[%add3A_332, %dma_wait3A_340] : memref<8192x1024xf32, #tpu.memory_space<hbm>> -> memref<8x1024xf32, #tpu.memory_space<hbm>>
        %dma_wait3A_342 = arith.constant 0 : i32
        %dma_wait3A_343 = arith.constant 0 : i32
        %dma_wait3A_344 = tpu.memref_slice %arg10[%dma_wait3A_333, %dma_wait3A_342, %dma_wait3A_343] : memref<4x8x1024xf32, #tpu.memory_space<vmem>> -> memref<1x8x1024xf32, #tpu.memory_space<vmem>>
        %dma_wait3A_345 = tpu.memref_squeeze %dma_wait3A_344 : memref<1x8x1024xf32, #tpu.memory_space<vmem>> -> memref<8x1024xf32, #tpu.memory_space<vmem>>
        tpu.wait_dma2 semaphore(%arg15 : memref<!tpu.dma_semaphore, #tpu.memory_space<semaphore_mem>>) src(%dma_wait3A_345 : memref<8x1024xf32, #tpu.memory_space<vmem>>) dst(%dma_wait3A_341 : memref<8x1024xf32, #tpu.memory_space<hbm>>)
      } else {
      }
      %scan3A_140 = arith.constant 0 : i32
      %scan3A_141 = arith.constant 0 : i32
      %scan3A_142 = arith.constant 0 : i32
      %scan3A_143 = arith.constant 0 : i32
      %scan3A_144 = arith.constant 8 : i32
      %scan3A_145 = arith.addi %scan3A_143, %scan3A_144 : i32
      %scan3A_146 = arith.constant 1 : i32
      scf.for %scan3A_329 = %scan3A_143 to %scan3A_145 step %scan3A_146  : i32 {
        %mul3A_330 = arith.constant 8 : i32
        %mul3A_331 = arith.muli %add3A_124, %mul3A_330 : i32
        %add3A_332 = arith.addi %mul3A_331, %scan3A_329 : i32
        %broadcast_in_dim3A = vector.broadcast %add3A_332 : i32 to vector<16xi32>
        %gather3A = tpu.vector_load_idx %arg7[%broadcast_in_dim3A] : memref<256xf32, #tpu.memory_space<vmem>>[vector<16xi32>], vector<16xf32>,
        %broadcast_in_dim3A_333 = vector.broadcast %add3A_332 : i32 to vector<16xi32>
        %gather3A_334 = tpu.vector_load_idx %arg8[%broadcast_in_dim3A_333] : memref<256xf32, #tpu.memory_space<vmem>>[vector<16xi32>], vector<16xf32>,
        %parallel_loop3A = arith.constant 0 : i32
        %parallel_loop3A_335 = arith.constant 64 : i32
        %parallel_loop3A_336 = arith.constant 1 : i32
        scf.for %parallel_loop3A_337 = %parallel_loop3A to %parallel_loop3A_335 step %parallel_loop3A_336  : i32 {
          %parallel_loop3A_338 = arith.constant 16 : i32
          %parallel_loop3A_339 = arith.muli %parallel_loop3A_337, %parallel_loop3A_338 : i32
          %parallel_loop3A_340 = arith.constant 2 : i32
          %parallel_loop3A_341 = arith.muli %parallel_loop3A_340, %scan3A_329 : i32
          %parallel_loop3A_342 = arith.constant 0 : i32
          %parallel_loop3A_343 = arith.constant 0 : i32
          %parallel_loop3A_344 = tpu.memref_slice %arg9[%scan3A_141, %parallel_loop3A_342, %parallel_loop3A_343] : memref<4x16x1024xf32, #tpu.memory_space<vmem>> -> memref<1x16x1024xf32, #tpu.memory_space<vmem>>
          %parallel_loop3A_345 = tpu.memref_squeeze %parallel_loop3A_344 : memref<1x16x1024xf32, #tpu.memory_space<vmem>> -> memref<16x1024xf32, #tpu.memory_space<vmem>>
          %parallel_loop3A_346 = arith.index_cast %parallel_loop3A_341 : i32 to index
          %parallel_loop3A_347 = arith.index_cast %parallel_loop3A_339 : i32 to index
          %parallel_loop3A_348 = tpu.vector_load %parallel_loop3A_345[%parallel_loop3A_346, %parallel_loop3A_347] {strides = array<i32>} : memref<16x1024xf32, #tpu.memory_space<vmem>>, vector<16xf32>,
          %parallel_loop3A_349 = arith.mulf %gather3A, %parallel_loop3A_348 : vector<16xf32>
          %parallel_loop3A_350 = arith.constant 2 : i32
          %parallel_loop3A_351 = arith.muli %parallel_loop3A_350, %scan3A_329 : i32
          %parallel_loop3A_352 = arith.constant 1 : i32
          %parallel_loop3A_353 = arith.addi %parallel_loop3A_351, %parallel_loop3A_352 : i32
          %parallel_loop3A_354 = arith.constant 0 : i32
          %parallel_loop3A_355 = arith.constant 0 : i32
          %parallel_loop3A_356 = tpu.memref_slice %arg9[%scan3A_141, %parallel_loop3A_354, %parallel_loop3A_355] : memref<4x16x1024xf32, #tpu.memory_space<vmem>> -> memref<1x16x1024xf32, #tpu.memory_space<vmem>>
          %parallel_loop3A_357 = tpu.memref_squeeze %parallel_loop3A_356 : memref<1x16x1024xf32, #tpu.memory_space<vmem>> -> memref<16x1024xf32, #tpu.memory_space<vmem>>
          %parallel_loop3A_358 = arith.index_cast %parallel_loop3A_353 : i32 to index
          %parallel_loop3A_359 = arith.index_cast %parallel_loop3A_339 : i32 to index
          %parallel_loop3A_360 = tpu.vector_load %parallel_loop3A_357[%parallel_loop3A_358, %parallel_loop3A_359] {strides = array<i32>} : memref<16x1024xf32, #tpu.memory_space<vmem>>, vector<16xf32>,
          %parallel_loop3A_361 = arith.mulf %gather3A_334, %parallel_loop3A_360 : vector<16xf32>
          %parallel_loop3A_362 = arith.addf %parallel_loop3A_349, %parallel_loop3A_361 : vector<16xf32>
          %parallel_loop3A_363 = arith.constant 0 : i32
          %parallel_loop3A_364 = arith.constant 0 : i32
          %parallel_loop3A_365 = tpu.memref_slice %arg10[%scan3A_142, %parallel_loop3A_363, %parallel_loop3A_364] : memref<4x8x1024xf32, #tpu.memory_space<vmem>> -> memref<1x8x1024xf32, #tpu.memory_space<vmem>>
          %parallel_loop3A_366 = tpu.memref_squeeze %parallel_loop3A_365 : memref<1x8x1024xf32, #tpu.memory_space<vmem>> -> memref<8x1024xf32, #tpu.memory_space<vmem>>
          %parallel_loop3A_367 = arith.index_cast %scan3A_329 : i32 to index
          %parallel_loop3A_368 = arith.index_cast %parallel_loop3A_339 : i32 to index
          %parallel_loop3A_369 = tpu.vector_load %parallel_loop3A_366[%parallel_loop3A_367, %parallel_loop3A_368] {strides = array<i32>} : memref<8x1024xf32, #tpu.memory_space<vmem>>, vector<16xf32>,
          tpu.vector_store %parallel_loop3A_366[%parallel_loop3A_367, %parallel_loop3A_368], %parallel_loop3A_362 {strides = array<i32>} : memref<8x1024xf32, #tpu.memory_space<vmem>>, vector<16xf32>,
        } {sc.loop_unroll_factor = 8 : i64, sc.parallel_access}
      }
      %scan3A_147 = arith.constant 8 : i32
      %add3A_148 = arith.constant 4 : i32
      %add3A_149 = arith.addi %add3A_124, %add3A_148 : i32
      %lt3A = arith.constant 32 : i32
      %lt3A_150 = arith.cmpi slt, %add3A_149, %lt3A : i32
      %convert_element_type3A_151 = arith.extui %lt3A_150 : i1 to i32
      %cond3A_152 = arith.constant 0 : i32
      %cond3A_153 = arith.cmpi ne, %convert_element_type3A_151, %cond3A_152 : i32
      scf.if %cond3A_153 {
        %add3A_329 = arith.constant 4 : i32
        %add3A_330 = arith.addi %add3A_124, %add3A_329 : i32
        %mul3A_331 = arith.constant 2 : i32
        %mul3A_332 = arith.muli %add3A_330, %mul3A_331 : i32
        %mul3A_333 = arith.constant 8 : i32
        %mul3A_334 = arith.muli %mul3A_332, %mul3A_333 : i32
        %dma_start3A_335 = arith.constant 0 : i32
        %dma_start3A_336 = arith.constant 0 : i32
        %dma_start3A_337 = arith.constant 0 : i32
        %dma_start3A_338 = tpu.memref_slice %arg9[%dma_start3A_335, %dma_start3A_336, %dma_start3A_337] : memref<4x16x1024xf32, #tpu.memory_space<vmem>> -> memref<1x16x1024xf32, #tpu.memory_space<vmem>>
        %dma_start3A_339 = tpu.memref_squeeze %dma_start3A_338 : memref<1x16x1024xf32, #tpu.memory_space<vmem>> -> memref<16x1024xf32, #tpu.memory_space<vmem>>
        %dma_start3A_340 = tpu.memref_slice %arg6[%mul3A_334] : memref<512xi32, #tpu.memory_space<vmem>> -> memref<16xi32, #tpu.memory_space<vmem>>
        %dma_start3A_341 = arith.constant 0 : i32
        %dma_start3A_342 = arith.constant 0 : i32
        %dma_start3A_343 = tpu.memref_slice %arg2[%dma_start3A_341, %dma_start3A_342] : memref<65536x1024xf32, #tpu.memory_space<hbm>> -> memref<65536x1024xf32, #tpu.memory_space<hbm>>
        tpu.enqueue_indirect_dma source(%dma_start3A_343 : memref<65536x1024xf32, #tpu.memory_space<hbm>>) target(%dma_start3A_339 : memref<16x1024xf32, #tpu.memory_space<vmem>>) offsets(%dma_start3A_340 : memref<16xi32, #tpu.memory_space<vmem>>) semaphore(%arg11 : memref<!tpu.dma_semaphore, #tpu.memory_space<semaphore_mem>>)
      } else {
      }
      %mul3A_154 = arith.constant 8 : i32
      %mul3A_155 = arith.muli %add3A_124, %mul3A_154 : i32
      %add3A_156 = arith.addi %mul3A_2, %mul3A_155 : i32
      %dma_start3A_157 = arith.constant 0 : i32
      %dma_start3A_158 = arith.constant 0 : i32
      %dma_start3A_159 = arith.constant 0 : i32
      %dma_start3A_160 = tpu.memref_slice %arg10[%dma_start3A_157, %dma_start3A_158, %dma_start3A_159] : memref<4x8x1024xf32, #tpu.memory_space<vmem>> -> memref<1x8x1024xf32, #tpu.memory_space<vmem>>
      %dma_start3A_161 = tpu.memref_squeeze %dma_start3A_160 : memref<1x8x1024xf32, #tpu.memory_space<vmem>> -> memref<8x1024xf32, #tpu.memory_space<vmem>>
      %dma_start3A_162 = arith.constant 0 : i32
      %dma_start3A_163 = tpu.memref_slice %arg4[%add3A_156, %dma_start3A_162] : memref<8192x1024xf32, #tpu.memory_space<hbm>> -> memref<8x1024xf32, #tpu.memory_space<hbm>>
      %dma_start3A_164 = arith.constant 0 : i32
      %dma_start3A_165 = tpu.memref_slice %arg4[%add3A_156, %dma_start3A_164] : memref<8192x1024xf32, #tpu.memory_space<hbm>> -> memref<8x1024xf32, #tpu.memory_space<hbm>>
      %dma_start3A_166 = arith.constant 0 : i32
      %dma_start3A_167 = arith.constant 0 : i32
      %dma_start3A_168 = tpu.memref_slice %arg10[%dma_start3A_157, %dma_start3A_166, %dma_start3A_167] : memref<4x8x1024xf32, #tpu.memory_space<vmem>> -> memref<1x8x1024xf32, #tpu.memory_space<vmem>>
      %dma_start3A_169 = tpu.memref_squeeze %dma_start3A_168 : memref<1x8x1024xf32, #tpu.memory_space<vmem>> -> memref<8x1024xf32, #tpu.memory_space<vmem>>
      tpu.enqueue_dma source(%dma_start3A_169 : memref<8x1024xf32, #tpu.memory_space<vmem>>) target(%dma_start3A_165 : memref<8x1024xf32, #tpu.memory_space<hbm>>) target_semaphore(%arg15 : memref<!tpu.dma_semaphore, #tpu.memory_space<semaphore_mem>>)
      %mul3A_170 = arith.constant 4 : i32
      %mul3A_171 = arith.muli %scan3A_120, %mul3A_170 : i32
      %add3A_172 = arith.constant 1 : i32
      %add3A_173 = arith.addi %mul3A_171, %add3A_172 : i32
      %mul3A_174 = arith.constant 2 : i32
      %mul3A_175 = arith.muli %add3A_173, %mul3A_174 : i32
      %mul3A_176 = arith.constant 8 : i32
      %mul3A_177 = arith.muli %mul3A_175, %mul3A_176 : i32
      %dma_wait3A_178 = arith.constant 1 : i32
      %dma_wait3A_179 = arith.constant 0 : i32
      %dma_wait3A_180 = arith.constant 0 : i32
      %dma_wait3A_181 = tpu.memref_slice %arg9[%dma_wait3A_178, %dma_wait3A_179, %dma_wait3A_180] : memref<4x16x1024xf32, #tpu.memory_space<vmem>> -> memref<1x16x1024xf32, #tpu.memory_space<vmem>>
      %dma_wait3A_182 = tpu.memref_squeeze %dma_wait3A_181 : memref<1x16x1024xf32, #tpu.memory_space<vmem>> -> memref<16x1024xf32, #tpu.memory_space<vmem>>
      %dma_wait3A_183 = tpu.memref_slice %arg6[%mul3A_177] : memref<512xi32, #tpu.memory_space<vmem>> -> memref<16xi32, #tpu.memory_space<vmem>>
      %dma_wait3A_184 = arith.constant 0 : i32
      %dma_wait3A_185 = arith.constant 0 : i32
      %dma_wait3A_186 = tpu.memref_slice %arg2[%dma_wait3A_184, %dma_wait3A_185] : memref<65536x1024xf32, #tpu.memory_space<hbm>> -> memref<65536x1024xf32, #tpu.memory_space<hbm>>
      tpu.wait_indirect_dma semaphore(%arg12 : memref<!tpu.dma_semaphore, #tpu.memory_space<semaphore_mem>>) src(%dma_wait3A_186 : memref<65536x1024xf32, #tpu.memory_space<hbm>>) dst(%dma_wait3A_182 : memref<16x1024xf32, #tpu.memory_space<vmem>>)
      %gt3A_187 = arith.constant 0 : i32
      %gt3A_188 = arith.cmpi sgt, %scan3A_120, %gt3A_187 : i32
      %convert_element_type3A_189 = arith.extui %gt3A_188 : i1 to i32
      %cond3A_190 = arith.constant 0 : i32
      %cond3A_191 = arith.cmpi ne, %convert_element_type3A_189, %cond3A_190 : i32
      scf.if %cond3A_191 {
        %sub3A = arith.constant 4 : i32
        %sub3A_329 = arith.subi %add3A_173, %sub3A : i32
        %mul3A_330 = arith.constant 8 : i32
        %mul3A_331 = arith.muli %sub3A_329, %mul3A_330 : i32
        %add3A_332 = arith.addi %mul3A_2, %mul3A_331 : i32
        %dma_wait3A_333 = arith.constant 1 : i32
        %dma_wait3A_334 = arith.constant 0 : i32
        %dma_wait3A_335 = arith.constant 0 : i32
        %dma_wait3A_336 = tpu.memref_slice %arg10[%dma_wait3A_333, %dma_wait3A_334, %dma_wait3A_335] : memref<4x8x1024xf32, #tpu.memory_space<vmem>> -> memref<1x8x1024xf32, #tpu.memory_space<vmem>>
        %dma_wait3A_337 = tpu.memref_squeeze %dma_wait3A_336 : memref<1x8x1024xf32, #tpu.memory_space<vmem>> -> memref<8x1024xf32, #tpu.memory_space<vmem>>
        %dma_wait3A_338 = arith.constant 0 : i32
        %dma_wait3A_339 = tpu.memref_slice %arg4[%add3A_332, %dma_wait3A_338] : memref<8192x1024xf32, #tpu.memory_space<hbm>> -> memref<8x1024xf32, #tpu.memory_space<hbm>>
        %dma_wait3A_340 = arith.constant 0 : i32
        %dma_wait3A_341 = tpu.memref_slice %arg4[%add3A_332, %dma_wait3A_340] : memref<8192x1024xf32, #tpu.memory_space<hbm>> -> memref<8x1024xf32, #tpu.memory_space<hbm>>
        %dma_wait3A_342 = arith.constant 0 : i32
        %dma_wait3A_343 = arith.constant 0 : i32
        %dma_wait3A_344 = tpu.memref_slice %arg10[%dma_wait3A_333, %dma_wait3A_342, %dma_wait3A_343] : memref<4x8x1024xf32, #tpu.memory_space<vmem>> -> memref<1x8x1024xf32, #tpu.memory_space<vmem>>
        %dma_wait3A_345 = tpu.memref_squeeze %dma_wait3A_344 : memref<1x8x1024xf32, #tpu.memory_space<vmem>> -> memref<8x1024xf32, #tpu.memory_space<vmem>>
        tpu.wait_dma2 semaphore(%arg16 : memref<!tpu.dma_semaphore, #tpu.memory_space<semaphore_mem>>) src(%dma_wait3A_345 : memref<8x1024xf32, #tpu.memory_space<vmem>>) dst(%dma_wait3A_341 : memref<8x1024xf32, #tpu.memory_space<hbm>>)
      } else {
      }
      %scan3A_192 = arith.constant 0 : i32
      %scan3A_193 = arith.constant 1 : i32
      %scan3A_194 = arith.constant 1 : i32
      %scan3A_195 = arith.constant 0 : i32
      %scan3A_196 = arith.constant 8 : i32
      %scan3A_197 = arith.addi %scan3A_195, %scan3A_196 : i32
      %scan3A_198 = arith.constant 1 : i32
      scf.for %scan3A_329 = %scan3A_195 to %scan3A_197 step %scan3A_198  : i32 {
        %mul3A_330 = arith.constant 8 : i32
        %mul3A_331 = arith.muli %add3A_173, %mul3A_330 : i32
        %add3A_332 = arith.addi %mul3A_331, %scan3A_329 : i32
        %broadcast_in_dim3A = vector.broadcast %add3A_332 : i32 to vector<16xi32>
        %gather3A = tpu.vector_load_idx %arg7[%broadcast_in_dim3A] : memref<256xf32, #tpu.memory_space<vmem>>[vector<16xi32>], vector<16xf32>,
        %broadcast_in_dim3A_333 = vector.broadcast %add3A_332 : i32 to vector<16xi32>
        %gather3A_334 = tpu.vector_load_idx %arg8[%broadcast_in_dim3A_333] : memref<256xf32, #tpu.memory_space<vmem>>[vector<16xi32>], vector<16xf32>,
        %parallel_loop3A = arith.constant 0 : i32
        %parallel_loop3A_335 = arith.constant 64 : i32
        %parallel_loop3A_336 = arith.constant 1 : i32
        scf.for %parallel_loop3A_337 = %parallel_loop3A to %parallel_loop3A_335 step %parallel_loop3A_336  : i32 {
          %parallel_loop3A_338 = arith.constant 16 : i32
          %parallel_loop3A_339 = arith.muli %parallel_loop3A_337, %parallel_loop3A_338 : i32
          %parallel_loop3A_340 = arith.constant 2 : i32
          %parallel_loop3A_341 = arith.muli %parallel_loop3A_340, %scan3A_329 : i32
          %parallel_loop3A_342 = arith.constant 0 : i32
          %parallel_loop3A_343 = arith.constant 0 : i32
          %parallel_loop3A_344 = tpu.memref_slice %arg9[%scan3A_193, %parallel_loop3A_342, %parallel_loop3A_343] : memref<4x16x1024xf32, #tpu.memory_space<vmem>> -> memref<1x16x1024xf32, #tpu.memory_space<vmem>>
          %parallel_loop3A_345 = tpu.memref_squeeze %parallel_loop3A_344 : memref<1x16x1024xf32, #tpu.memory_space<vmem>> -> memref<16x1024xf32, #tpu.memory_space<vmem>>
          %parallel_loop3A_346 = arith.index_cast %parallel_loop3A_341 : i32 to index
          %parallel_loop3A_347 = arith.index_cast %parallel_loop3A_339 : i32 to index
          %parallel_loop3A_348 = tpu.vector_load %parallel_loop3A_345[%parallel_loop3A_346, %parallel_loop3A_347] {strides = array<i32>} : memref<16x1024xf32, #tpu.memory_space<vmem>>, vector<16xf32>,
          %parallel_loop3A_349 = arith.mulf %gather3A, %parallel_loop3A_348 : vector<16xf32>
          %parallel_loop3A_350 = arith.constant 2 : i32
          %parallel_loop3A_351 = arith.muli %parallel_loop3A_350, %scan3A_329 : i32
          %parallel_loop3A_352 = arith.constant 1 : i32
          %parallel_loop3A_353 = arith.addi %parallel_loop3A_351, %parallel_loop3A_352 : i32
          %parallel_loop3A_354 = arith.constant 0 : i32
          %parallel_loop3A_355 = arith.constant 0 : i32
          %parallel_loop3A_356 = tpu.memref_slice %arg9[%scan3A_193, %parallel_loop3A_354, %parallel_loop3A_355] : memref<4x16x1024xf32, #tpu.memory_space<vmem>> -> memref<1x16x1024xf32, #tpu.memory_space<vmem>>
          %parallel_loop3A_357 = tpu.memref_squeeze %parallel_loop3A_356 : memref<1x16x1024xf32, #tpu.memory_space<vmem>> -> memref<16x1024xf32, #tpu.memory_space<vmem>>
          %parallel_loop3A_358 = arith.index_cast %parallel_loop3A_353 : i32 to index
          %parallel_loop3A_359 = arith.index_cast %parallel_loop3A_339 : i32 to index
          %parallel_loop3A_360 = tpu.vector_load %parallel_loop3A_357[%parallel_loop3A_358, %parallel_loop3A_359] {strides = array<i32>} : memref<16x1024xf32, #tpu.memory_space<vmem>>, vector<16xf32>,
          %parallel_loop3A_361 = arith.mulf %gather3A_334, %parallel_loop3A_360 : vector<16xf32>
          %parallel_loop3A_362 = arith.addf %parallel_loop3A_349, %parallel_loop3A_361 : vector<16xf32>
          %parallel_loop3A_363 = arith.constant 0 : i32
          %parallel_loop3A_364 = arith.constant 0 : i32
          %parallel_loop3A_365 = tpu.memref_slice %arg10[%scan3A_194, %parallel_loop3A_363, %parallel_loop3A_364] : memref<4x8x1024xf32, #tpu.memory_space<vmem>> -> memref<1x8x1024xf32, #tpu.memory_space<vmem>>
          %parallel_loop3A_366 = tpu.memref_squeeze %parallel_loop3A_365 : memref<1x8x1024xf32, #tpu.memory_space<vmem>> -> memref<8x1024xf32, #tpu.memory_space<vmem>>
          %parallel_loop3A_367 = arith.index_cast %scan3A_329 : i32 to index
          %parallel_loop3A_368 = arith.index_cast %parallel_loop3A_339 : i32 to index
          %parallel_loop3A_369 = tpu.vector_load %parallel_loop3A_366[%parallel_loop3A_367, %parallel_loop3A_368] {strides = array<i32>} : memref<8x1024xf32, #tpu.memory_space<vmem>>, vector<16xf32>,
          tpu.vector_store %parallel_loop3A_366[%parallel_loop3A_367, %parallel_loop3A_368], %parallel_loop3A_362 {strides = array<i32>} : memref<8x1024xf32, #tpu.memory_space<vmem>>, vector<16xf32>,
        } {sc.loop_unroll_factor = 8 : i64, sc.parallel_access}
      }
      %scan3A_199 = arith.constant 8 : i32
      %add3A_200 = arith.constant 4 : i32
      %add3A_201 = arith.addi %add3A_173, %add3A_200 : i32
      %lt3A_202 = arith.constant 32 : i32
      %lt3A_203 = arith.cmpi slt, %add3A_201, %lt3A_202 : i32
      %convert_element_type3A_204 = arith.extui %lt3A_203 : i1 to i32
      %cond3A_205 = arith.constant 0 : i32
      %cond3A_206 = arith.cmpi ne, %convert_element_type3A_204, %cond3A_205 : i32
      scf.if %cond3A_206 {
        %add3A_329 = arith.constant 4 : i32
        %add3A_330 = arith.addi %add3A_173, %add3A_329 : i32
        %mul3A_331 = arith.constant 2 : i32
        %mul3A_332 = arith.muli %add3A_330, %mul3A_331 : i32
        %mul3A_333 = arith.constant 8 : i32
        %mul3A_334 = arith.muli %mul3A_332, %mul3A_333 : i32
        %dma_start3A_335 = arith.constant 1 : i32
        %dma_start3A_336 = arith.constant 0 : i32
        %dma_start3A_337 = arith.constant 0 : i32
        %dma_start3A_338 = tpu.memref_slice %arg9[%dma_start3A_335, %dma_start3A_336, %dma_start3A_337] : memref<4x16x1024xf32, #tpu.memory_space<vmem>> -> memref<1x16x1024xf32, #tpu.memory_space<vmem>>
        %dma_start3A_339 = tpu.memref_squeeze %dma_start3A_338 : memref<1x16x1024xf32, #tpu.memory_space<vmem>> -> memref<16x1024xf32, #tpu.memory_space<vmem>>
        %dma_start3A_340 = tpu.memref_slice %arg6[%mul3A_334] : memref<512xi32, #tpu.memory_space<vmem>> -> memref<16xi32, #tpu.memory_space<vmem>>
        %dma_start3A_341 = arith.constant 0 : i32
        %dma_start3A_342 = arith.constant 0 : i32
        %dma_start3A_343 = tpu.memref_slice %arg2[%dma_start3A_341, %dma_start3A_342] : memref<65536x1024xf32, #tpu.memory_space<hbm>> -> memref<65536x1024xf32, #tpu.memory_space<hbm>>
        tpu.enqueue_indirect_dma source(%dma_start3A_343 : memref<65536x1024xf32, #tpu.memory_space<hbm>>) target(%dma_start3A_339 : memref<16x1024xf32, #tpu.memory_space<vmem>>) offsets(%dma_start3A_340 : memref<16xi32, #tpu.memory_space<vmem>>) semaphore(%arg12 : memref<!tpu.dma_semaphore, #tpu.memory_space<semaphore_mem>>)
      } else {
      }
      %mul3A_207 = arith.constant 8 : i32
      %mul3A_208 = arith.muli %add3A_173, %mul3A_207 : i32
      %add3A_209 = arith.addi %mul3A_2, %mul3A_208 : i32
      %dma_start3A_210 = arith.constant 1 : i32
      %dma_start3A_211 = arith.constant 0 : i32
      %dma_start3A_212 = arith.constant 0 : i32
      %dma_start3A_213 = tpu.memref_slice %arg10[%dma_start3A_210, %dma_start3A_211, %dma_start3A_212] : memref<4x8x1024xf32, #tpu.memory_space<vmem>> -> memref<1x8x1024xf32, #tpu.memory_space<vmem>>
      %dma_start3A_214 = tpu.memref_squeeze %dma_start3A_213 : memref<1x8x1024xf32, #tpu.memory_space<vmem>> -> memref<8x1024xf32, #tpu.memory_space<vmem>>
      %dma_start3A_215 = arith.constant 0 : i32
      %dma_start3A_216 = tpu.memref_slice %arg4[%add3A_209, %dma_start3A_215] : memref<8192x1024xf32, #tpu.memory_space<hbm>> -> memref<8x1024xf32, #tpu.memory_space<hbm>>
      %dma_start3A_217 = arith.constant 0 : i32
      %dma_start3A_218 = tpu.memref_slice %arg4[%add3A_209, %dma_start3A_217] : memref<8192x1024xf32, #tpu.memory_space<hbm>> -> memref<8x1024xf32, #tpu.memory_space<hbm>>
      %dma_start3A_219 = arith.constant 0 : i32
      %dma_start3A_220 = arith.constant 0 : i32
      %dma_start3A_221 = tpu.memref_slice %arg10[%dma_start3A_210, %dma_start3A_219, %dma_start3A_220] : memref<4x8x1024xf32, #tpu.memory_space<vmem>> -> memref<1x8x1024xf32, #tpu.memory_space<vmem>>
      %dma_start3A_222 = tpu.memref_squeeze %dma_start3A_221 : memref<1x8x1024xf32, #tpu.memory_space<vmem>> -> memref<8x1024xf32, #tpu.memory_space<vmem>>
      tpu.enqueue_dma source(%dma_start3A_222 : memref<8x1024xf32, #tpu.memory_space<vmem>>) target(%dma_start3A_218 : memref<8x1024xf32, #tpu.memory_space<hbm>>) target_semaphore(%arg16 : memref<!tpu.dma_semaphore, #tpu.memory_space<semaphore_mem>>)
      %mul3A_223 = arith.constant 4 : i32
      %mul3A_224 = arith.muli %scan3A_120, %mul3A_223 : i32
      %add3A_225 = arith.constant 2 : i32
      %add3A_226 = arith.addi %mul3A_224, %add3A_225 : i32
      %mul3A_227 = arith.constant 2 : i32
      %mul3A_228 = arith.muli %add3A_226, %mul3A_227 : i32
      %mul3A_229 = arith.constant 8 : i32
      %mul3A_230 = arith.muli %mul3A_228, %mul3A_229 : i32
      %dma_wait3A_231 = arith.constant 2 : i32
      %dma_wait3A_232 = arith.constant 0 : i32
      %dma_wait3A_233 = arith.constant 0 : i32
      %dma_wait3A_234 = tpu.memref_slice %arg9[%dma_wait3A_231, %dma_wait3A_232, %dma_wait3A_233] : memref<4x16x1024xf32, #tpu.memory_space<vmem>> -> memref<1x16x1024xf32, #tpu.memory_space<vmem>>
      %dma_wait3A_235 = tpu.memref_squeeze %dma_wait3A_234 : memref<1x16x1024xf32, #tpu.memory_space<vmem>> -> memref<16x1024xf32, #tpu.memory_space<vmem>>
      %dma_wait3A_236 = tpu.memref_slice %arg6[%mul3A_230] : memref<512xi32, #tpu.memory_space<vmem>> -> memref<16xi32, #tpu.memory_space<vmem>>
      %dma_wait3A_237 = arith.constant 0 : i32
      %dma_wait3A_238 = arith.constant 0 : i32
      %dma_wait3A_239 = tpu.memref_slice %arg2[%dma_wait3A_237, %dma_wait3A_238] : memref<65536x1024xf32, #tpu.memory_space<hbm>> -> memref<65536x1024xf32, #tpu.memory_space<hbm>>
      tpu.wait_indirect_dma semaphore(%arg13 : memref<!tpu.dma_semaphore, #tpu.memory_space<semaphore_mem>>) src(%dma_wait3A_239 : memref<65536x1024xf32, #tpu.memory_space<hbm>>) dst(%dma_wait3A_235 : memref<16x1024xf32, #tpu.memory_space<vmem>>)
      %gt3A_240 = arith.constant 0 : i32
      %gt3A_241 = arith.cmpi sgt, %scan3A_120, %gt3A_240 : i32
      %convert_element_type3A_242 = arith.extui %gt3A_241 : i1 to i32
      %cond3A_243 = arith.constant 0 : i32
      %cond3A_244 = arith.cmpi ne, %convert_element_type3A_242, %cond3A_243 : i32
      scf.if %cond3A_244 {
        %sub3A = arith.constant 4 : i32
        %sub3A_329 = arith.subi %add3A_226, %sub3A : i32
        %mul3A_330 = arith.constant 8 : i32
        %mul3A_331 = arith.muli %sub3A_329, %mul3A_330 : i32
        %add3A_332 = arith.addi %mul3A_2, %mul3A_331 : i32
        %dma_wait3A_333 = arith.constant 2 : i32
        %dma_wait3A_334 = arith.constant 0 : i32
        %dma_wait3A_335 = arith.constant 0 : i32
        %dma_wait3A_336 = tpu.memref_slice %arg10[%dma_wait3A_333, %dma_wait3A_334, %dma_wait3A_335] : memref<4x8x1024xf32, #tpu.memory_space<vmem>> -> memref<1x8x1024xf32, #tpu.memory_space<vmem>>
        %dma_wait3A_337 = tpu.memref_squeeze %dma_wait3A_336 : memref<1x8x1024xf32, #tpu.memory_space<vmem>> -> memref<8x1024xf32, #tpu.memory_space<vmem>>
        %dma_wait3A_338 = arith.constant 0 : i32
        %dma_wait3A_339 = tpu.memref_slice %arg4[%add3A_332, %dma_wait3A_338] : memref<8192x1024xf32, #tpu.memory_space<hbm>> -> memref<8x1024xf32, #tpu.memory_space<hbm>>
        %dma_wait3A_340 = arith.constant 0 : i32
        %dma_wait3A_341 = tpu.memref_slice %arg4[%add3A_332, %dma_wait3A_340] : memref<8192x1024xf32, #tpu.memory_space<hbm>> -> memref<8x1024xf32, #tpu.memory_space<hbm>>
        %dma_wait3A_342 = arith.constant 0 : i32
        %dma_wait3A_343 = arith.constant 0 : i32
        %dma_wait3A_344 = tpu.memref_slice %arg10[%dma_wait3A_333, %dma_wait3A_342, %dma_wait3A_343] : memref<4x8x1024xf32, #tpu.memory_space<vmem>> -> memref<1x8x1024xf32, #tpu.memory_space<vmem>>
        %dma_wait3A_345 = tpu.memref_squeeze %dma_wait3A_344 : memref<1x8x1024xf32, #tpu.memory_space<vmem>> -> memref<8x1024xf32, #tpu.memory_space<vmem>>
        tpu.wait_dma2 semaphore(%arg17 : memref<!tpu.dma_semaphore, #tpu.memory_space<semaphore_mem>>) src(%dma_wait3A_345 : memref<8x1024xf32, #tpu.memory_space<vmem>>) dst(%dma_wait3A_341 : memref<8x1024xf32, #tpu.memory_space<hbm>>)
      } else {
      }
      %scan3A_245 = arith.constant 0 : i32
      %scan3A_246 = arith.constant 2 : i32
      %scan3A_247 = arith.constant 2 : i32
      %scan3A_248 = arith.constant 0 : i32
      %scan3A_249 = arith.constant 8 : i32
      %scan3A_250 = arith.addi %scan3A_248, %scan3A_249 : i32
      %scan3A_251 = arith.constant 1 : i32
      scf.for %scan3A_329 = %scan3A_248 to %scan3A_250 step %scan3A_251  : i32 {
        %mul3A_330 = arith.constant 8 : i32
        %mul3A_331 = arith.muli %add3A_226, %mul3A_330 : i32
        %add3A_332 = arith.addi %mul3A_331, %scan3A_329 : i32
        %broadcast_in_dim3A = vector.broadcast %add3A_332 : i32 to vector<16xi32>
        %gather3A = tpu.vector_load_idx %arg7[%broadcast_in_dim3A] : memref<256xf32, #tpu.memory_space<vmem>>[vector<16xi32>], vector<16xf32>,
        %broadcast_in_dim3A_333 = vector.broadcast %add3A_332 : i32 to vector<16xi32>
        %gather3A_334 = tpu.vector_load_idx %arg8[%broadcast_in_dim3A_333] : memref<256xf32, #tpu.memory_space<vmem>>[vector<16xi32>], vector<16xf32>,
        %parallel_loop3A = arith.constant 0 : i32
        %parallel_loop3A_335 = arith.constant 64 : i32
        %parallel_loop3A_336 = arith.constant 1 : i32
        scf.for %parallel_loop3A_337 = %parallel_loop3A to %parallel_loop3A_335 step %parallel_loop3A_336  : i32 {
          %parallel_loop3A_338 = arith.constant 16 : i32
          %parallel_loop3A_339 = arith.muli %parallel_loop3A_337, %parallel_loop3A_338 : i32
          %parallel_loop3A_340 = arith.constant 2 : i32
          %parallel_loop3A_341 = arith.muli %parallel_loop3A_340, %scan3A_329 : i32
          %parallel_loop3A_342 = arith.constant 0 : i32
          %parallel_loop3A_343 = arith.constant 0 : i32
          %parallel_loop3A_344 = tpu.memref_slice %arg9[%scan3A_246, %parallel_loop3A_342, %parallel_loop3A_343] : memref<4x16x1024xf32, #tpu.memory_space<vmem>> -> memref<1x16x1024xf32, #tpu.memory_space<vmem>>
          %parallel_loop3A_345 = tpu.memref_squeeze %parallel_loop3A_344 : memref<1x16x1024xf32, #tpu.memory_space<vmem>> -> memref<16x1024xf32, #tpu.memory_space<vmem>>
          %parallel_loop3A_346 = arith.index_cast %parallel_loop3A_341 : i32 to index
          %parallel_loop3A_347 = arith.index_cast %parallel_loop3A_339 : i32 to index
          %parallel_loop3A_348 = tpu.vector_load %parallel_loop3A_345[%parallel_loop3A_346, %parallel_loop3A_347] {strides = array<i32>} : memref<16x1024xf32, #tpu.memory_space<vmem>>, vector<16xf32>,
          %parallel_loop3A_349 = arith.mulf %gather3A, %parallel_loop3A_348 : vector<16xf32>
          %parallel_loop3A_350 = arith.constant 2 : i32
          %parallel_loop3A_351 = arith.muli %parallel_loop3A_350, %scan3A_329 : i32
          %parallel_loop3A_352 = arith.constant 1 : i32
          %parallel_loop3A_353 = arith.addi %parallel_loop3A_351, %parallel_loop3A_352 : i32
          %parallel_loop3A_354 = arith.constant 0 : i32
          %parallel_loop3A_355 = arith.constant 0 : i32
          %parallel_loop3A_356 = tpu.memref_slice %arg9[%scan3A_246, %parallel_loop3A_354, %parallel_loop3A_355] : memref<4x16x1024xf32, #tpu.memory_space<vmem>> -> memref<1x16x1024xf32, #tpu.memory_space<vmem>>
          %parallel_loop3A_357 = tpu.memref_squeeze %parallel_loop3A_356 : memref<1x16x1024xf32, #tpu.memory_space<vmem>> -> memref<16x1024xf32, #tpu.memory_space<vmem>>
          %parallel_loop3A_358 = arith.index_cast %parallel_loop3A_353 : i32 to index
          %parallel_loop3A_359 = arith.index_cast %parallel_loop3A_339 : i32 to index
          %parallel_loop3A_360 = tpu.vector_load %parallel_loop3A_357[%parallel_loop3A_358, %parallel_loop3A_359] {strides = array<i32>} : memref<16x1024xf32, #tpu.memory_space<vmem>>, vector<16xf32>,
          %parallel_loop3A_361 = arith.mulf %gather3A_334, %parallel_loop3A_360 : vector<16xf32>
          %parallel_loop3A_362 = arith.addf %parallel_loop3A_349, %parallel_loop3A_361 : vector<16xf32>
          %parallel_loop3A_363 = arith.constant 0 : i32
          %parallel_loop3A_364 = arith.constant 0 : i32
          %parallel_loop3A_365 = tpu.memref_slice %arg10[%scan3A_247, %parallel_loop3A_363, %parallel_loop3A_364] : memref<4x8x1024xf32, #tpu.memory_space<vmem>> -> memref<1x8x1024xf32, #tpu.memory_space<vmem>>
          %parallel_loop3A_366 = tpu.memref_squeeze %parallel_loop3A_365 : memref<1x8x1024xf32, #tpu.memory_space<vmem>> -> memref<8x1024xf32, #tpu.memory_space<vmem>>
          %parallel_loop3A_367 = arith.index_cast %scan3A_329 : i32 to index
          %parallel_loop3A_368 = arith.index_cast %parallel_loop3A_339 : i32 to index
          %parallel_loop3A_369 = tpu.vector_load %parallel_loop3A_366[%parallel_loop3A_367, %parallel_loop3A_368] {strides = array<i32>} : memref<8x1024xf32, #tpu.memory_space<vmem>>, vector<16xf32>,
          tpu.vector_store %parallel_loop3A_366[%parallel_loop3A_367, %parallel_loop3A_368], %parallel_loop3A_362 {strides = array<i32>} : memref<8x1024xf32, #tpu.memory_space<vmem>>, vector<16xf32>,
        } {sc.loop_unroll_factor = 8 : i64, sc.parallel_access}
      }
      %scan3A_252 = arith.constant 8 : i32
      %add3A_253 = arith.constant 4 : i32
      %add3A_254 = arith.addi %add3A_226, %add3A_253 : i32
      %lt3A_255 = arith.constant 32 : i32
      %lt3A_256 = arith.cmpi slt, %add3A_254, %lt3A_255 : i32
      %convert_element_type3A_257 = arith.extui %lt3A_256 : i1 to i32
      %cond3A_258 = arith.constant 0 : i32
      %cond3A_259 = arith.cmpi ne, %convert_element_type3A_257, %cond3A_258 : i32
      scf.if %cond3A_259 {
        %add3A_329 = arith.constant 4 : i32
        %add3A_330 = arith.addi %add3A_226, %add3A_329 : i32
        %mul3A_331 = arith.constant 2 : i32
        %mul3A_332 = arith.muli %add3A_330, %mul3A_331 : i32
        %mul3A_333 = arith.constant 8 : i32
        %mul3A_334 = arith.muli %mul3A_332, %mul3A_333 : i32
        %dma_start3A_335 = arith.constant 2 : i32
        %dma_start3A_336 = arith.constant 0 : i32
        %dma_start3A_337 = arith.constant 0 : i32
        %dma_start3A_338 = tpu.memref_slice %arg9[%dma_start3A_335, %dma_start3A_336, %dma_start3A_337] : memref<4x16x1024xf32, #tpu.memory_space<vmem>> -> memref<1x16x1024xf32, #tpu.memory_space<vmem>>
        %dma_start3A_339 = tpu.memref_squeeze %dma_start3A_338 : memref<1x16x1024xf32, #tpu.memory_space<vmem>> -> memref<16x1024xf32, #tpu.memory_space<vmem>>
        %dma_start3A_340 = tpu.memref_slice %arg6[%mul3A_334] : memref<512xi32, #tpu.memory_space<vmem>> -> memref<16xi32, #tpu.memory_space<vmem>>
        %dma_start3A_341 = arith.constant 0 : i32
        %dma_start3A_342 = arith.constant 0 : i32
        %dma_start3A_343 = tpu.memref_slice %arg2[%dma_start3A_341, %dma_start3A_342] : memref<65536x1024xf32, #tpu.memory_space<hbm>> -> memref<65536x1024xf32, #tpu.memory_space<hbm>>
        tpu.enqueue_indirect_dma source(%dma_start3A_343 : memref<65536x1024xf32, #tpu.memory_space<hbm>>) target(%dma_start3A_339 : memref<16x1024xf32, #tpu.memory_space<vmem>>) offsets(%dma_start3A_340 : memref<16xi32, #tpu.memory_space<vmem>>) semaphore(%arg13 : memref<!tpu.dma_semaphore, #tpu.memory_space<semaphore_mem>>)
      } else {
      }
      %mul3A_260 = arith.constant 8 : i32
      %mul3A_261 = arith.muli %add3A_226, %mul3A_260 : i32
      %add3A_262 = arith.addi %mul3A_2, %mul3A_261 : i32
      %dma_start3A_263 = arith.constant 2 : i32
      %dma_start3A_264 = arith.constant 0 : i32
      %dma_start3A_265 = arith.constant 0 : i32
      %dma_start3A_266 = tpu.memref_slice %arg10[%dma_start3A_263, %dma_start3A_264, %dma_start3A_265] : memref<4x8x1024xf32, #tpu.memory_space<vmem>> -> memref<1x8x1024xf32, #tpu.memory_space<vmem>>
      %dma_start3A_267 = tpu.memref_squeeze %dma_start3A_266 : memref<1x8x1024xf32, #tpu.memory_space<vmem>> -> memref<8x1024xf32, #tpu.memory_space<vmem>>
      %dma_start3A_268 = arith.constant 0 : i32
      %dma_start3A_269 = tpu.memref_slice %arg4[%add3A_262, %dma_start3A_268] : memref<8192x1024xf32, #tpu.memory_space<hbm>> -> memref<8x1024xf32, #tpu.memory_space<hbm>>
      %dma_start3A_270 = arith.constant 0 : i32
      %dma_start3A_271 = tpu.memref_slice %arg4[%add3A_262, %dma_start3A_270] : memref<8192x1024xf32, #tpu.memory_space<hbm>> -> memref<8x1024xf32, #tpu.memory_space<hbm>>
      %dma_start3A_272 = arith.constant 0 : i32
      %dma_start3A_273 = arith.constant 0 : i32
      %dma_start3A_274 = tpu.memref_slice %arg10[%dma_start3A_263, %dma_start3A_272, %dma_start3A_273] : memref<4x8x1024xf32, #tpu.memory_space<vmem>> -> memref<1x8x1024xf32, #tpu.memory_space<vmem>>
      %dma_start3A_275 = tpu.memref_squeeze %dma_start3A_274 : memref<1x8x1024xf32, #tpu.memory_space<vmem>> -> memref<8x1024xf32, #tpu.memory_space<vmem>>
      tpu.enqueue_dma source(%dma_start3A_275 : memref<8x1024xf32, #tpu.memory_space<vmem>>) target(%dma_start3A_271 : memref<8x1024xf32, #tpu.memory_space<hbm>>) target_semaphore(%arg17 : memref<!tpu.dma_semaphore, #tpu.memory_space<semaphore_mem>>)
      %mul3A_276 = arith.constant 4 : i32
      %mul3A_277 = arith.muli %scan3A_120, %mul3A_276 : i32
      %add3A_278 = arith.constant 3 : i32
      %add3A_279 = arith.addi %mul3A_277, %add3A_278 : i32
      %mul3A_280 = arith.constant 2 : i32
      %mul3A_281 = arith.muli %add3A_279, %mul3A_280 : i32
      %mul3A_282 = arith.constant 8 : i32
      %mul3A_283 = arith.muli %mul3A_281, %mul3A_282 : i32
      %dma_wait3A_284 = arith.constant 3 : i32
      %dma_wait3A_285 = arith.constant 0 : i32
      %dma_wait3A_286 = arith.constant 0 : i32
      %dma_wait3A_287 = tpu.memref_slice %arg9[%dma_wait3A_284, %dma_wait3A_285, %dma_wait3A_286] : memref<4x16x1024xf32, #tpu.memory_space<vmem>> -> memref<1x16x1024xf32, #tpu.memory_space<vmem>>
      %dma_wait3A_288 = tpu.memref_squeeze %dma_wait3A_287 : memref<1x16x1024xf32, #tpu.memory_space<vmem>> -> memref<16x1024xf32, #tpu.memory_space<vmem>>
      %dma_wait3A_289 = tpu.memref_slice %arg6[%mul3A_283] : memref<512xi32, #tpu.memory_space<vmem>> -> memref<16xi32, #tpu.memory_space<vmem>>
      %dma_wait3A_290 = arith.constant 0 : i32
      %dma_wait3A_291 = arith.constant 0 : i32
      %dma_wait3A_292 = tpu.memref_slice %arg2[%dma_wait3A_290, %dma_wait3A_291] : memref<65536x1024xf32, #tpu.memory_space<hbm>> -> memref<65536x1024xf32, #tpu.memory_space<hbm>>
      tpu.wait_indirect_dma semaphore(%arg14 : memref<!tpu.dma_semaphore, #tpu.memory_space<semaphore_mem>>) src(%dma_wait3A_292 : memref<65536x1024xf32, #tpu.memory_space<hbm>>) dst(%dma_wait3A_288 : memref<16x1024xf32, #tpu.memory_space<vmem>>)
      %gt3A_293 = arith.constant 0 : i32
      %gt3A_294 = arith.cmpi sgt, %scan3A_120, %gt3A_293 : i32
      %convert_element_type3A_295 = arith.extui %gt3A_294 : i1 to i32
      %cond3A_296 = arith.constant 0 : i32
      %cond3A_297 = arith.cmpi ne, %convert_element_type3A_295, %cond3A_296 : i32
      scf.if %cond3A_297 {
        %sub3A = arith.constant 4 : i32
        %sub3A_329 = arith.subi %add3A_279, %sub3A : i32
        %mul3A_330 = arith.constant 8 : i32
        %mul3A_331 = arith.muli %sub3A_329, %mul3A_330 : i32
        %add3A_332 = arith.addi %mul3A_2, %mul3A_331 : i32
        %dma_wait3A_333 = arith.constant 3 : i32
        %dma_wait3A_334 = arith.constant 0 : i32
        %dma_wait3A_335 = arith.constant 0 : i32
        %dma_wait3A_336 = tpu.memref_slice %arg10[%dma_wait3A_333, %dma_wait3A_334, %dma_wait3A_335] : memref<4x8x1024xf32, #tpu.memory_space<vmem>> -> memref<1x8x1024xf32, #tpu.memory_space<vmem>>
        %dma_wait3A_337 = tpu.memref_squeeze %dma_wait3A_336 : memref<1x8x1024xf32, #tpu.memory_space<vmem>> -> memref<8x1024xf32, #tpu.memory_space<vmem>>
        %dma_wait3A_338 = arith.constant 0 : i32
        %dma_wait3A_339 = tpu.memref_slice %arg4[%add3A_332, %dma_wait3A_338] : memref<8192x1024xf32, #tpu.memory_space<hbm>> -> memref<8x1024xf32, #tpu.memory_space<hbm>>
        %dma_wait3A_340 = arith.constant 0 : i32
        %dma_wait3A_341 = tpu.memref_slice %arg4[%add3A_332, %dma_wait3A_340] : memref<8192x1024xf32, #tpu.memory_space<hbm>> -> memref<8x1024xf32, #tpu.memory_space<hbm>>
        %dma_wait3A_342 = arith.constant 0 : i32
        %dma_wait3A_343 = arith.constant 0 : i32
        %dma_wait3A_344 = tpu.memref_slice %arg10[%dma_wait3A_333, %dma_wait3A_342, %dma_wait3A_343] : memref<4x8x1024xf32, #tpu.memory_space<vmem>> -> memref<1x8x1024xf32, #tpu.memory_space<vmem>>
        %dma_wait3A_345 = tpu.memref_squeeze %dma_wait3A_344 : memref<1x8x1024xf32, #tpu.memory_space<vmem>> -> memref<8x1024xf32, #tpu.memory_space<vmem>>
        tpu.wait_dma2 semaphore(%arg18 : memref<!tpu.dma_semaphore, #tpu.memory_space<semaphore_mem>>) src(%dma_wait3A_345 : memref<8x1024xf32, #tpu.memory_space<vmem>>) dst(%dma_wait3A_341 : memref<8x1024xf32, #tpu.memory_space<hbm>>)
      } else {
      }
      %scan3A_298 = arith.constant 0 : i32
      %scan3A_299 = arith.constant 3 : i32
      %scan3A_300 = arith.constant 3 : i32
      %scan3A_301 = arith.constant 0 : i32
      %scan3A_302 = arith.constant 8 : i32
      %scan3A_303 = arith.addi %scan3A_301, %scan3A_302 : i32
      %scan3A_304 = arith.constant 1 : i32
      scf.for %scan3A_329 = %scan3A_301 to %scan3A_303 step %scan3A_304  : i32 {
        %mul3A_330 = arith.constant 8 : i32
        %mul3A_331 = arith.muli %add3A_279, %mul3A_330 : i32
        %add3A_332 = arith.addi %mul3A_331, %scan3A_329 : i32
        %broadcast_in_dim3A = vector.broadcast %add3A_332 : i32 to vector<16xi32>
        %gather3A = tpu.vector_load_idx %arg7[%broadcast_in_dim3A] : memref<256xf32, #tpu.memory_space<vmem>>[vector<16xi32>], vector<16xf32>,
        %broadcast_in_dim3A_333 = vector.broadcast %add3A_332 : i32 to vector<16xi32>
        %gather3A_334 = tpu.vector_load_idx %arg8[%broadcast_in_dim3A_333] : memref<256xf32, #tpu.memory_space<vmem>>[vector<16xi32>], vector<16xf32>,
        %parallel_loop3A = arith.constant 0 : i32
        %parallel_loop3A_335 = arith.constant 64 : i32
        %parallel_loop3A_336 = arith.constant 1 : i32
        scf.for %parallel_loop3A_337 = %parallel_loop3A to %parallel_loop3A_335 step %parallel_loop3A_336  : i32 {
          %parallel_loop3A_338 = arith.constant 16 : i32
          %parallel_loop3A_339 = arith.muli %parallel_loop3A_337, %parallel_loop3A_338 : i32
          %parallel_loop3A_340 = arith.constant 2 : i32
          %parallel_loop3A_341 = arith.muli %parallel_loop3A_340, %scan3A_329 : i32
          %parallel_loop3A_342 = arith.constant 0 : i32
          %parallel_loop3A_343 = arith.constant 0 : i32
          %parallel_loop3A_344 = tpu.memref_slice %arg9[%scan3A_299, %parallel_loop3A_342, %parallel_loop3A_343] : memref<4x16x1024xf32, #tpu.memory_space<vmem>> -> memref<1x16x1024xf32, #tpu.memory_space<vmem>>
          %parallel_loop3A_345 = tpu.memref_squeeze %parallel_loop3A_344 : memref<1x16x1024xf32, #tpu.memory_space<vmem>> -> memref<16x1024xf32, #tpu.memory_space<vmem>>
          %parallel_loop3A_346 = arith.index_cast %parallel_loop3A_341 : i32 to index
          %parallel_loop3A_347 = arith.index_cast %parallel_loop3A_339 : i32 to index
          %parallel_loop3A_348 = tpu.vector_load %parallel_loop3A_345[%parallel_loop3A_346, %parallel_loop3A_347] {strides = array<i32>} : memref<16x1024xf32, #tpu.memory_space<vmem>>, vector<16xf32>,
          %parallel_loop3A_349 = arith.mulf %gather3A, %parallel_loop3A_348 : vector<16xf32>
          %parallel_loop3A_350 = arith.constant 2 : i32
          %parallel_loop3A_351 = arith.muli %parallel_loop3A_350, %scan3A_329 : i32
          %parallel_loop3A_352 = arith.constant 1 : i32
          %parallel_loop3A_353 = arith.addi %parallel_loop3A_351, %parallel_loop3A_352 : i32
          %parallel_loop3A_354 = arith.constant 0 : i32
          %parallel_loop3A_355 = arith.constant 0 : i32
          %parallel_loop3A_356 = tpu.memref_slice %arg9[%scan3A_299, %parallel_loop3A_354, %parallel_loop3A_355] : memref<4x16x1024xf32, #tpu.memory_space<vmem>> -> memref<1x16x1024xf32, #tpu.memory_space<vmem>>
          %parallel_loop3A_357 = tpu.memref_squeeze %parallel_loop3A_356 : memref<1x16x1024xf32, #tpu.memory_space<vmem>> -> memref<16x1024xf32, #tpu.memory_space<vmem>>
          %parallel_loop3A_358 = arith.index_cast %parallel_loop3A_353 : i32 to index
          %parallel_loop3A_359 = arith.index_cast %parallel_loop3A_339 : i32 to index
          %parallel_loop3A_360 = tpu.vector_load %parallel_loop3A_357[%parallel_loop3A_358, %parallel_loop3A_359] {strides = array<i32>} : memref<16x1024xf32, #tpu.memory_space<vmem>>, vector<16xf32>,
          %parallel_loop3A_361 = arith.mulf %gather3A_334, %parallel_loop3A_360 : vector<16xf32>
          %parallel_loop3A_362 = arith.addf %parallel_loop3A_349, %parallel_loop3A_361 : vector<16xf32>
          %parallel_loop3A_363 = arith.constant 0 : i32
          %parallel_loop3A_364 = arith.constant 0 : i32
          %parallel_loop3A_365 = tpu.memref_slice %arg10[%scan3A_300, %parallel_loop3A_363, %parallel_loop3A_364] : memref<4x8x1024xf32, #tpu.memory_space<vmem>> -> memref<1x8x1024xf32, #tpu.memory_space<vmem>>
          %parallel_loop3A_366 = tpu.memref_squeeze %parallel_loop3A_365 : memref<1x8x1024xf32, #tpu.memory_space<vmem>> -> memref<8x1024xf32, #tpu.memory_space<vmem>>
          %parallel_loop3A_367 = arith.index_cast %scan3A_329 : i32 to index
          %parallel_loop3A_368 = arith.index_cast %parallel_loop3A_339 : i32 to index
          %parallel_loop3A_369 = tpu.vector_load %parallel_loop3A_366[%parallel_loop3A_367, %parallel_loop3A_368] {strides = array<i32>} : memref<8x1024xf32, #tpu.memory_space<vmem>>, vector<16xf32>,
          tpu.vector_store %parallel_loop3A_366[%parallel_loop3A_367, %parallel_loop3A_368], %parallel_loop3A_362 {strides = array<i32>} : memref<8x1024xf32, #tpu.memory_space<vmem>>, vector<16xf32>,
        } {sc.loop_unroll_factor = 8 : i64, sc.parallel_access}
      }
      %scan3A_305 = arith.constant 8 : i32
      %add3A_306 = arith.constant 4 : i32
      %add3A_307 = arith.addi %add3A_279, %add3A_306 : i32
      %lt3A_308 = arith.constant 32 : i32
      %lt3A_309 = arith.cmpi slt, %add3A_307, %lt3A_308 : i32
      %convert_element_type3A_310 = arith.extui %lt3A_309 : i1 to i32
      %cond3A_311 = arith.constant 0 : i32
      %cond3A_312 = arith.cmpi ne, %convert_element_type3A_310, %cond3A_311 : i32
      scf.if %cond3A_312 {
        %add3A_329 = arith.constant 4 : i32
        %add3A_330 = arith.addi %add3A_279, %add3A_329 : i32
        %mul3A_331 = arith.constant 2 : i32
        %mul3A_332 = arith.muli %add3A_330, %mul3A_331 : i32
        %mul3A_333 = arith.constant 8 : i32
        %mul3A_334 = arith.muli %mul3A_332, %mul3A_333 : i32
        %dma_start3A_335 = arith.constant 3 : i32
        %dma_start3A_336 = arith.constant 0 : i32
        %dma_start3A_337 = arith.constant 0 : i32
        %dma_start3A_338 = tpu.memref_slice %arg9[%dma_start3A_335, %dma_start3A_336, %dma_start3A_337] : memref<4x16x1024xf32, #tpu.memory_space<vmem>> -> memref<1x16x1024xf32, #tpu.memory_space<vmem>>
        %dma_start3A_339 = tpu.memref_squeeze %dma_start3A_338 : memref<1x16x1024xf32, #tpu.memory_space<vmem>> -> memref<16x1024xf32, #tpu.memory_space<vmem>>
        %dma_start3A_340 = tpu.memref_slice %arg6[%mul3A_334] : memref<512xi32, #tpu.memory_space<vmem>> -> memref<16xi32, #tpu.memory_space<vmem>>
        %dma_start3A_341 = arith.constant 0 : i32
        %dma_start3A_342 = arith.constant 0 : i32
        %dma_start3A_343 = tpu.memref_slice %arg2[%dma_start3A_341, %dma_start3A_342] : memref<65536x1024xf32, #tpu.memory_space<hbm>> -> memref<65536x1024xf32, #tpu.memory_space<hbm>>
        tpu.enqueue_indirect_dma source(%dma_start3A_343 : memref<65536x1024xf32, #tpu.memory_space<hbm>>) target(%dma_start3A_339 : memref<16x1024xf32, #tpu.memory_space<vmem>>) offsets(%dma_start3A_340 : memref<16xi32, #tpu.memory_space<vmem>>) semaphore(%arg14 : memref<!tpu.dma_semaphore, #tpu.memory_space<semaphore_mem>>)
      } else {
      }
      %mul3A_313 = arith.constant 8 : i32
      %mul3A_314 = arith.muli %add3A_279, %mul3A_313 : i32
      %add3A_315 = arith.addi %mul3A_2, %mul3A_314 : i32
      %dma_start3A_316 = arith.constant 3 : i32
      %dma_start3A_317 = arith.constant 0 : i32
      %dma_start3A_318 = arith.constant 0 : i32
      %dma_start3A_319 = tpu.memref_slice %arg10[%dma_start3A_316, %dma_start3A_317, %dma_start3A_318] : memref<4x8x1024xf32, #tpu.memory_space<vmem>> -> memref<1x8x1024xf32, #tpu.memory_space<vmem>>
      %dma_start3A_320 = tpu.memref_squeeze %dma_start3A_319 : memref<1x8x1024xf32, #tpu.memory_space<vmem>> -> memref<8x1024xf32, #tpu.memory_space<vmem>>
      %dma_start3A_321 = arith.constant 0 : i32
      %dma_start3A_322 = tpu.memref_slice %arg4[%add3A_315, %dma_start3A_321] : memref<8192x1024xf32, #tpu.memory_space<hbm>> -> memref<8x1024xf32, #tpu.memory_space<hbm>>
      %dma_start3A_323 = arith.constant 0 : i32
      %dma_start3A_324 = tpu.memref_slice %arg4[%add3A_315, %dma_start3A_323] : memref<8192x1024xf32, #tpu.memory_space<hbm>> -> memref<8x1024xf32, #tpu.memory_space<hbm>>
      %dma_start3A_325 = arith.constant 0 : i32
      %dma_start3A_326 = arith.constant 0 : i32
      %dma_start3A_327 = tpu.memref_slice %arg10[%dma_start3A_316, %dma_start3A_325, %dma_start3A_326] : memref<4x8x1024xf32, #tpu.memory_space<vmem>> -> memref<1x8x1024xf32, #tpu.memory_space<vmem>>
      %dma_start3A_328 = tpu.memref_squeeze %dma_start3A_327 : memref<1x8x1024xf32, #tpu.memory_space<vmem>> -> memref<8x1024xf32, #tpu.memory_space<vmem>>
      tpu.enqueue_dma source(%dma_start3A_328 : memref<8x1024xf32, #tpu.memory_space<vmem>>) target(%dma_start3A_324 : memref<8x1024xf32, #tpu.memory_space<hbm>>) target_semaphore(%arg18 : memref<!tpu.dma_semaphore, #tpu.memory_space<semaphore_mem>>)
    }
    %scan3A_60 = arith.constant 8 : i32
    %add3A_61 = arith.constant 224 : i32
    %add3A_62 = arith.addi %mul3A_2, %add3A_61 : i32
    %dma_wait3A = arith.constant 0 : i32
    %dma_wait3A_63 = arith.constant 0 : i32
    %dma_wait3A_64 = arith.constant 0 : i32
    %dma_wait3A_65 = tpu.memref_slice %arg10[%dma_wait3A, %dma_wait3A_63, %dma_wait3A_64] : memref<4x8x1024xf32, #tpu.memory_space<vmem>> -> memref<1x8x1024xf32, #tpu.memory_space<vmem>>
    %dma_wait3A_66 = tpu.memref_squeeze %dma_wait3A_65 : memref<1x8x1024xf32, #tpu.memory_space<vmem>> -> memref<8x1024xf32, #tpu.memory_space<vmem>>
    %dma_wait3A_67 = arith.constant 0 : i32
    %dma_wait3A_68 = tpu.memref_slice %arg4[%add3A_62, %dma_wait3A_67] : memref<8192x1024xf32, #tpu.memory_space<hbm>> -> memref<8x1024xf32, #tpu.memory_space<hbm>>
    %dma_wait3A_69 = arith.constant 0 : i32
    %dma_wait3A_70 = tpu.memref_slice %arg4[%add3A_62, %dma_wait3A_69] : memref<8192x1024xf32, #tpu.memory_space<hbm>> -> memref<8x1024xf32, #tpu.memory_space<hbm>>
    %dma_wait3A_71 = arith.constant 0 : i32
    %dma_wait3A_72 = arith.constant 0 : i32
    %dma_wait3A_73 = tpu.memref_slice %arg10[%dma_wait3A, %dma_wait3A_71, %dma_wait3A_72] : memref<4x8x1024xf32, #tpu.memory_space<vmem>> -> memref<1x8x1024xf32, #tpu.memory_space<vmem>>
    %dma_wait3A_74 = tpu.memref_squeeze %dma_wait3A_73 : memref<1x8x1024xf32, #tpu.memory_space<vmem>> -> memref<8x1024xf32, #tpu.memory_space<vmem>>
    tpu.wait_dma2 semaphore(%arg15 : memref<!tpu.dma_semaphore, #tpu.memory_space<semaphore_mem>>) src(%dma_wait3A_74 : memref<8x1024xf32, #tpu.memory_space<vmem>>) dst(%dma_wait3A_70 : memref<8x1024xf32, #tpu.memory_space<hbm>>)
    %add3A_75 = arith.constant 232 : i32
    %add3A_76 = arith.addi %mul3A_2, %add3A_75 : i32
    %dma_wait3A_77 = arith.constant 1 : i32
    %dma_wait3A_78 = arith.constant 0 : i32
    %dma_wait3A_79 = arith.constant 0 : i32
    %dma_wait3A_80 = tpu.memref_slice %arg10[%dma_wait3A_77, %dma_wait3A_78, %dma_wait3A_79] : memref<4x8x1024xf32, #tpu.memory_space<vmem>> -> memref<1x8x1024xf32, #tpu.memory_space<vmem>>
    %dma_wait3A_81 = tpu.memref_squeeze %dma_wait3A_80 : memref<1x8x1024xf32, #tpu.memory_space<vmem>> -> memref<8x1024xf32, #tpu.memory_space<vmem>>
    %dma_wait3A_82 = arith.constant 0 : i32
    %dma_wait3A_83 = tpu.memref_slice %arg4[%add3A_76, %dma_wait3A_82] : memref<8192x1024xf32, #tpu.memory_space<hbm>> -> memref<8x1024xf32, #tpu.memory_space<hbm>>
    %dma_wait3A_84 = arith.constant 0 : i32
    %dma_wait3A_85 = tpu.memref_slice %arg4[%add3A_76, %dma_wait3A_84] : memref<8192x1024xf32, #tpu.memory_space<hbm>> -> memref<8x1024xf32, #tpu.memory_space<hbm>>
    %dma_wait3A_86 = arith.constant 0 : i32
    %dma_wait3A_87 = arith.constant 0 : i32
    %dma_wait3A_88 = tpu.memref_slice %arg10[%dma_wait3A_77, %dma_wait3A_86, %dma_wait3A_87] : memref<4x8x1024xf32, #tpu.memory_space<vmem>> -> memref<1x8x1024xf32, #tpu.memory_space<vmem>>
    %dma_wait3A_89 = tpu.memref_squeeze %dma_wait3A_88 : memref<1x8x1024xf32, #tpu.memory_space<vmem>> -> memref<8x1024xf32, #tpu.memory_space<vmem>>
    tpu.wait_dma2 semaphore(%arg16 : memref<!tpu.dma_semaphore, #tpu.memory_space<semaphore_mem>>) src(%dma_wait3A_89 : memref<8x1024xf32, #tpu.memory_space<vmem>>) dst(%dma_wait3A_85 : memref<8x1024xf32, #tpu.memory_space<hbm>>)
    %add3A_90 = arith.constant 240 : i32
    %add3A_91 = arith.addi %mul3A_2, %add3A_90 : i32
    %dma_wait3A_92 = arith.constant 2 : i32
    %dma_wait3A_93 = arith.constant 0 : i32
    %dma_wait3A_94 = arith.constant 0 : i32
    %dma_wait3A_95 = tpu.memref_slice %arg10[%dma_wait3A_92, %dma_wait3A_93, %dma_wait3A_94] : memref<4x8x1024xf32, #tpu.memory_space<vmem>> -> memref<1x8x1024xf32, #tpu.memory_space<vmem>>
    %dma_wait3A_96 = tpu.memref_squeeze %dma_wait3A_95 : memref<1x8x1024xf32, #tpu.memory_space<vmem>> -> memref<8x1024xf32, #tpu.memory_space<vmem>>
    %dma_wait3A_97 = arith.constant 0 : i32
    %dma_wait3A_98 = tpu.memref_slice %arg4[%add3A_91, %dma_wait3A_97] : memref<8192x1024xf32, #tpu.memory_space<hbm>> -> memref<8x1024xf32, #tpu.memory_space<hbm>>
    %dma_wait3A_99 = arith.constant 0 : i32
    %dma_wait3A_100 = tpu.memref_slice %arg4[%add3A_91, %dma_wait3A_99] : memref<8192x1024xf32, #tpu.memory_space<hbm>> -> memref<8x1024xf32, #tpu.memory_space<hbm>>
    %dma_wait3A_101 = arith.constant 0 : i32
    %dma_wait3A_102 = arith.constant 0 : i32
    %dma_wait3A_103 = tpu.memref_slice %arg10[%dma_wait3A_92, %dma_wait3A_101, %dma_wait3A_102] : memref<4x8x1024xf32, #tpu.memory_space<vmem>> -> memref<1x8x1024xf32, #tpu.memory_space<vmem>>
    %dma_wait3A_104 = tpu.memref_squeeze %dma_wait3A_103 : memref<1x8x1024xf32, #tpu.memory_space<vmem>> -> memref<8x1024xf32, #tpu.memory_space<vmem>>
    tpu.wait_dma2 semaphore(%arg17 : memref<!tpu.dma_semaphore, #tpu.memory_space<semaphore_mem>>) src(%dma_wait3A_104 : memref<8x1024xf32, #tpu.memory_space<vmem>>) dst(%dma_wait3A_100 : memref<8x1024xf32, #tpu.memory_space<hbm>>)
    %add3A_105 = arith.constant 248 : i32
    %add3A_106 = arith.addi %mul3A_2, %add3A_105 : i32
    %dma_wait3A_107 = arith.constant 3 : i32
    %dma_wait3A_108 = arith.constant 0 : i32
    %dma_wait3A_109 = arith.constant 0 : i32
    %dma_wait3A_110 = tpu.memref_slice %arg10[%dma_wait3A_107, %dma_wait3A_108, %dma_wait3A_109] : memref<4x8x1024xf32, #tpu.memory_space<vmem>> -> memref<1x8x1024xf32, #tpu.memory_space<vmem>>
    %dma_wait3A_111 = tpu.memref_squeeze %dma_wait3A_110 : memref<1x8x1024xf32, #tpu.memory_space<vmem>> -> memref<8x1024xf32, #tpu.memory_space<vmem>>
    %dma_wait3A_112 = arith.constant 0 : i32
    %dma_wait3A_113 = tpu.memref_slice %arg4[%add3A_106, %dma_wait3A_112] : memref<8192x1024xf32, #tpu.memory_space<hbm>> -> memref<8x1024xf32, #tpu.memory_space<hbm>>
    %dma_wait3A_114 = arith.constant 0 : i32
    %dma_wait3A_115 = tpu.memref_slice %arg4[%add3A_106, %dma_wait3A_114] : memref<8192x1024xf32, #tpu.memory_space<hbm>> -> memref<8x1024xf32, #tpu.memory_space<hbm>>
    %dma_wait3A_116 = arith.constant 0 : i32
    %dma_wait3A_117 = arith.constant 0 : i32
    %dma_wait3A_118 = tpu.memref_slice %arg10[%dma_wait3A_107, %dma_wait3A_116, %dma_wait3A_117] : memref<4x8x1024xf32, #tpu.memory_space<vmem>> -> memref<1x8x1024xf32, #tpu.memory_space<vmem>>
    %dma_wait3A_119 = tpu.memref_squeeze %dma_wait3A_118 : memref<1x8x1024xf32, #tpu.memory_space<vmem>> -> memref<8x1024xf32, #tpu.memory_space<vmem>>
    tpu.wait_dma2 semaphore(%arg18 : memref<!tpu.dma_semaphore, #tpu.memory_space<semaphore_mem>>) src(%dma_wait3A_119 : memref<8x1024xf32, #tpu.memory_space<vmem>>) dst(%dma_wait3A_115 : memref<8x1024xf32, #tpu.memory_space<hbm>>)
    return
  }
}

</mosaic_0001>

<sc_bundles>
// kernel: kernel.3.cloned.1.call-start
scs
__scs_entry_jumppad:
0x0: {  	(pc) =	sbr.rel $0x88, $3  }
0x1: {  	(tag) =	ssettag $0x0;
	lr =	simm.s32 $0x1  }
0x2: {  	[smem:$0x3F9F] =	sst lr;
	_ =	strace $0xD0000000  }
0x3: {  	_ = 	snop  }
0x4: {  	_ = 	snop  }
0x5: {  	_ = 	snop  }
0x6: {  	_ = 	snop  }
0x7: {  	_ = 	snop  }
__scs_overlays_trampoline_lowered:
0x8: {  	[smem:$0x3FAE] =	sst s0  }
0x9: {  	[smem:$0x3FAF] =	sst s1  }
0xa: {  	[smem:$0x3FB0] =	sst s2  }
0xb: {  	[smem:$0x3FB1] =	sst s3  }
0xc: {  	[smem:$0x3FB2] =	sst s4  }
0xd: {  	[smem:$0x3FB3] =	sst s5  }
0xe: {  	[smem:$0x3FB4] =	sst s6  }
0xf: {  	[smem:$0x3FB5] =	sst s7  }
0x10: {  	[smem:$0x3FB6] =	sst s8  }
0x11: {  	[smem:$0x3FB7] =	sst s9;
	s0 =	simm.s32 @!p0 $0x0  }
0x12: {  	s1 =	sld [smem:$0x3F9D];
	s0 =	simm.s32 @p0 $0x1  }
0x13: {  	[smem:$0x3FB8] =	sst s0;
	s0 =	simm.s32 @!p1 $0x0  }
0x14: {  	s2 =	sld [smem:$0x3F9C];
	s0 =	simm.s32 @p1 $0x1  }
0x15: {  	[smem:$0x3FB9] =	sst s0;
	s0 =	simm.s32 @!p2 $0x0  }
0x16: {  	s3 =	sld [smem:$0x3FDB];
	s0 =	simm.s32 @p2 $0x1  }
0x17: {  	s4 =	simm.s32 $0x1BF5;
	[smem:$0x3FBB] =	sst s0  }
0x18: {  	s0 =	sld [smem:$0x3F9E];
	_ =	swait.ge [sflag:s4], $0x0  }
0x19: {  	s7 =	sld [smem:$0x3F9F]  }
0x1a: {  	s8 =	sadd.s32 $0xFFFFE003, lr  }
0x1b: {  	s9 =	sadd.s32 $0xFFFFFEF7, lr;
	s5 =	simm.s32 $0xFFFFFFFF;
	p2 =	slt.u32 s8, $0xFFFFF086  }
0x1c: {  	p1 =	slt.u32 s9, $0xF7A;
	s5 =	simm.s32 @!p2 $0x0  }
0x1d: {  	s5 =	simm.s32 @p1 $0x1;
	p0 =	seq.s32 s7, s2  }
0x1e: {  	s7 =	smul.u32 @!p0 $0xF7A, s2;
	p2 =	seq.s32 @!p0 s5, $0x0  }
0x1f: {  	s9 =	smul.u32 $0xF7A, s1;
	s8 =	simm.s32 @!p0 $0x1BF5;
	p2 =	por !p2, p0  }
0x20: {  	[sflag:s8] =	ssyncset.s32 @!p0 $0xFFFFF086;
	s6 =	sadd.s32 @!p0 s3, s7;
	s7 =	simm.s32 @!p0 $0x108  }
0x21: {  	s3 =	sadd.s32 s3, s9;
	s6 =	sadd.s32 @!p0 $0x88, s6;
	s7 =	simm.s32 @p2 $0x1082  }
0x22: {  	[simem:s7], [sflag:s8] =	dma.local @!p0 [hbm:s6], $0xF7A  }
0x23: {  	s9 =	sor.u32 $0xD0000000, s2;
	s6 =	simm.s32 $0x108;
	_ =	swait.ge @!p0 [sflag:s8], $0x0  }
0x24: {  	s3 =	sadd.s32 $0x88, s3;
	s6 =	simm.s32 @!p1 $0x1082;
	[sflag:s4] =	ssyncset.s32 $0xFFFFF086  }
0x25: {  	[simem:s6], [sflag:s4] =	dma.local [hbm:s3], $0xF7A  }
0x26: {  	[smem:$0x3F9F] =	sst s1;
	(tag) =	ssettag s2;
	_ =	strace s9  }
0x27: {  	s1 =	sld [smem:$0x3FAF]  }
0x28: {  	s2 =	sld [smem:$0x3FB0]  }
0x29: {  	s4 =	sld [smem:$0x3FB2]  }
0x2a: {  	p0 =	seq.s32 s5, $0x0;
	s5 =	sld [smem:$0x3FB3]  }
0x2b: {  	s6 =	sld [smem:$0x3FB4]  }
0x2c: {  	s7 =	sld [smem:$0x3FB5]  }
0x2d: {  	s3 =	simm.s32 $0x108;
	s8 =	sld [smem:$0x3FB6]  }
0x2e: {  	s3 =	simm.s32 @!p0 $0x1082;
	s9 =	sld [smem:$0x3FB7]  }
0x2f: {  	lr =	sadd.s32 s0, s3;
	s0 =	sld [smem:$0x3FAE]  }
0x30: {  	s3 =	sld [smem:$0x3FB1]  }
0x31: {  	[smem:$0x3FBA] =	sst s10  }
0x32: {  	s10 =	sld [smem:$0x3FB8];
	_ =	sdelay $0x3  }
0x33: {  	p0 =	seq.s32 s10, $0x1;
	s10 =	sld [smem:$0x3FBA];
	_ =	sdelay $0x3  }
0x34: {  	[smem:$0x3FBA] =	sst s10  }
0x35: {  	s10 =	sld [smem:$0x3FB9];
	_ =	sdelay $0x3  }
0x36: {  	p1 =	seq.s32 s10, $0x1;
	s10 =	sld [smem:$0x3FBA];
	_ =	sdelay $0x3  }
0x37: {  	[smem:$0x3FBA] =	sst s10  }
0x38: {  	s10 =	sld [smem:$0x3FBB]  }
0x39: {  	_ = 	snop;
	(pc) =	sbr.ind lr, $3  }
0x3a: {  	_ = 	snop  }
0x3b: {  	_ = 	snop  }
0x3c: {  	p2 =	seq.s32 s10, $0x1;
	s10 =	sld [smem:$0x3FBA]  }
0x3d: {  	_ =	shalt  }
0x3e: {  	_ =	shalt  }
0x3f: {  	_ =	shalt  }
0x40: {  	_ =	shalt  }
0x41: {  	_ =	shalt  }
0x42: {  	_ =	shalt  }
0x43: {  	_ =	shalt  }
0x44: {  	_ =	shalt  }
0x45: {  	_ =	shalt  }
0x46: {  	_ =	shalt  }
0x47: {  	_ =	shalt  }
0x48: {  	_ =	shalt  }
0x49: {  	_ =	shalt  }
0x4a: {  	_ =	shalt  }
0x4b: {  	_ =	shalt  }
0x4c: {  	_ =	shalt  }
0x4d: {  	_ =	shalt  }
0x4e: {  	_ =	shalt  }
0x4f: {  	_ =	shalt  }
0x50: {  	_ =	shalt  }
0x51: {  	_ =	shalt  }
0x52: {  	_ =	shalt  }
0x53: {  	_ =	shalt  }
0x54: {  	_ =	shalt  }
0x55: {  	_ =	shalt  }
0x56: {  	_ =	shalt  }
0x57: {  	_ =	shalt  }
0x58: {  	_ =	shalt  }
0x59: {  	_ =	shalt  }
0x5a: {  	_ =	shalt  }
0x5b: {  	_ =	shalt  }
0x5c: {  	_ =	shalt  }
0x5d: {  	_ =	shalt  }
0x5e: {  	_ =	shalt  }
0x5f: {  	_ =	shalt  }
0x60: {  	_ =	shalt  }
0x61: {  	_ =	shalt  }
0x62: {  	_ =	shalt  }
0x63: {  	_ =	shalt  }
0x64: {  	_ =	shalt  }
0x65: {  	_ =	shalt  }
0x66: {  	_ =	shalt  }
0x67: {  	_ =	shalt  }
0x68: {  	_ =	shalt  }
0x69: {  	_ =	shalt  }
0x6a: {  	_ =	shalt  }
0x6b: {  	_ =	shalt  }
0x6c: {  	_ =	shalt  }
0x6d: {  	_ =	shalt  }
0x6e: {  	_ =	shalt  }
0x6f: {  	_ =	shalt  }
0x70: {  	_ =	shalt  }
0x71: {  	_ =	shalt  }
0x72: {  	_ =	shalt  }
0x73: {  	_ =	shalt  }
0x74: {  	_ =	shalt  }
0x75: {  	_ =	shalt  }
0x76: {  	_ =	shalt  }
0x77: {  	_ =	shalt  }
0x78: {  	_ =	shalt  }
0x79: {  	_ =	shalt  }
0x7a: {  	_ =	shalt  }
0x7b: {  	_ =	shalt  }
0x7c: {  	_ =	shalt  }
0x7d: {  	_ =	shalt  }
0x7e: {  	_ =	shalt  }
0x7f: {  	_ =	shalt  }
0x80: {  	_ =	shalt  }
0x81: {  	_ =	shalt  }
0x82: {  	_ =	shalt  }
0x83: {  	_ =	shalt  }
0x84: {  	_ =	shalt  }
0x85: {  	_ =	shalt  }
0x86: {  	_ =	shalt  }
0x87: {  	_ =	shalt  }
.Lfunc_end0:
.L_simem_size_0:
called_computation_lowered:
.L_overlay_start_0:
0x88: {  	s2 =	sld [smem:$0x3FD9]  }
0x89: {  	s3 =	sld [smem:$0x3FFE];
	_ =	sdelay $0x1  }
0x8a: {  	s1 =	srdreg.scid  }
0x8b: {  	s0 =	sand.u32 $0x1, s1  }
0x8c: {  	s17 =	sshll.u32 s0, $0xA;
	s2 =	sadd.s32 s3, s2  }
0x8d: {  	s2 =	sadd.s32 s2, s17  }
0x8e: {  	[smem:$0x3FC6] =	sst s2  }
0x8f: {  	_ = 	snop  }
0x90: {  	s2 =	sld [smem:$0x3FC9]  }
0x91: {  	s18 =	sld [smem:$0x3FD0];
	(tm) =	ssettm $0x1  }
0x92: {  	s4 =	sld [smem:$0x3FFB];
	_ =	sdelay $0x3  }
0x93: {  	_ =	strace s4  }
0x94: {  	s4 =	sld [smem:$0x3FFC];
	_ =	sdelay $0x3  }
0x95: {  	_ =	strace s4  }
0x96: {  	s4 =	sld [smem:$0x3FFD];
	_ =	sdelay $0x3  }
0x97: {  	_ =	strace s4  }
0x98: {  	_ =	strace $0x8FFFFFFF  }
0x99: {  	s19 =	sld [smem:$0x3FDB];
	_ =	sdelay $0x1  }
0x9a: {  	s5 =	simm.s32 $_scs_section_size  }
0x9b: {  	s6 =	simm.s32 $_size__tile_overlayer_lowered;
	s7 =	simm.s32 $_tile_overlayer_lowered  }
0x9c: {  	s22 =	simm.s32 $0x1BFF;
	s21 =	sshll.u32 s7, $0x1;
	s4 =	sadd.s32 s5, s19  }
0x9d: {  	s8 =	simm.s32 $0x0;
	s20 =	sshll.u32 s6, $0x1;
	s6 =	sadd.s32 s21, s4  }
0x9e: {  	[timem:s8], [sflag:s22] =	dma.local [hbm:s6], s20  }
0x9f: {  	_ =	swait.ge [sflag:s22], s20  }
0xa0: {  	s5 =	ssub.s32 $0x0, s20;
	[sflag:s22] =	ssyncset.done $0x0  }
0xa1: {  	[sflag:s22] =	ssyncadd.s32 s5;
	_ =	sdelay $0x1  }
0xa2: {  	s23 =	simm.s32 $0x1B8B  }
0xa3: {  	_ =	swait.ge [sflag:s23], $0x1  }
0xa4: {  	[sflag:s23] =	ssyncset.done $0x0  }
0xa5: {  	s25 =	simm.s32 $0x1B8E;
	s24 =	sld [smem:$0x3FFE];
	[sflag:s23] =	ssyncadd.s32 $0xFFFFFFFF  }
0xa6: {  	s26 =	simm.s32 $execute0_lowered;
	[smem:$0x3FD2] =	sst s25  }
0xa7: {  	s6 =	sshll.u32 s26, $0x1;
	_ =	strace $0x80000046;
	[dreg:$0x1] =	wrdreg $0xFFFFFFFF  }
0xa8: {  	s28 =	simm.s32 $_size_execute0_lowered;
	s4 =	sadd.s32 s4, s6;
	[dreg:$0x0] =	wrdreg $0x0  }
0xa9: {  	s6 =	sshll.u32 s28, $0x1;
	[dreg:$0x2] =	wrdreg s4  }
0xaa: {  	[dreg:$0x3] =	wrdreg s6  }
0xab: {  	[dreg:$0x4] =	wrdreg $0xC0  }
0xac: {  	_ =	task [dreg:s8], $0x5FFFF  }
0xad: {  	[dreg:$0x1] =	wrdreg $0xFFFFFFFF  }
0xae: {  	[dreg:$0x0] =	wrdreg $0x60  }
0xaf: {  	[dreg:$0x2] =	wrdreg s2  }
0xb0: {  	[dreg:$0x3] =	wrdreg s24  }
0xb1: {  	[dreg:$0x4] =	wrdreg s18  }
0xb2: {  	[dreg:$0x5] =	wrdreg $0x9  }
0xb3: {  	_ =	task.clear_ibuf [dreg:s8], $0x6FFFF;
	_ =	strace $0x90000046  }
0xb4: {  	s29 =	simm.s32 $0x9;
	_ =	strace $0x80000048  }
0xb5: {  	_ =	swait.ge [sflag:s29], $0x1  }
0xb6: {  	[sflag:s29] =	ssyncadd.s32 $0xFFFFFFFF  }
0xb7: {  	_ =	strace $0x90000048  }
0xb8: {  	_ =	sfence  }
0xb9: {  	s30 =	sld [smem:$0x0];
	_ =	sdelay $0x2  }
0xba: {  	s31 =	sshll.u32 s1, $0xD;
	s1 =	sshrl.u32 s1, $0x2  }
0xbb: {  	s3 =	sand.u32 $0x4000, s31;
	s1 =	sadd.s32 s1, s30  }
0xbc: {  	s0 =	sor.u32 s3, s0;
	s1 =	sshll.u32 s1, $0x11  }
0xbd: {  	s0 =	sor.u32 s1, s0  }
0xbe: {  	s0 =	sadd.s32 $0x8F2B, s0  }
0xbf: {  	[sflag:s0] =	ssyncadd.remote.s32 $0x1  }
0xc0: {  	_ =	sfence.sel $0xFFFF  }
0xc1: {  	[dreg:$0x0] =	wrdreg $0xFFFFFFFF;
	(pc) =	sbr.abs _section_cstart, $3  }
0xc2: {  	[dreg:$0x1] =	wrdreg $0xFFFFFFFF  }
0xc3: {  	_ =	task.clear_ibuf [dreg:s8], $0x2FFFF;
	_ =	strace $0x9FFFFFFF  }
0xc4: {  	(tm) =	ssettm $0x7FFFFFFF  }
0xc5: {  	_ =	shalt  }
tec
execute0_lowered:
.L_overlay_start_1:
0x0: {  	(tag) =	ssettag $0x1  }
0x1: {  	s1 =	rddreg [dreg:$0x0]  }
0x2: {  	s0 =	rddreg [dreg:$0x1]  }
0x3: {  	s2 =	srdreg.scid;
	s3 =	stileid.u32  }
0x4: {  	s4 =	rddreg [dreg:$0x2];
	s11 =	simm.s32 $0x800;
	s23 =	simm.s32 $0x1  }
0x5: {  	s28 =	simm.s32 $0x2;
	s29 =	simm.s32 $0x12C00;
	s30 =	simm.s32 $0x3  }
0x6: {  	s31 =	simm.s32 $0x14C00;
	s16 =	simm.s32 $0x0;
	s2 =	sand.u32 $0x1, s2  }
0x7: {  	s5 =	sshll.u32 s3, $0x1;
	s3 =	simm.s32 $0x0;
	s6 =	sadd.s32 $0x200, s1  }
0x8: {  	s7 =	sadd.s32 $0x300, s1;
	s8 =	sor.u32 s2, s5;
	[smem:$0x7FF] =	sst s3  }
0x9: {  	s2 =	ssub.s32 $0x2, s2;
	s5 =	sadd.s32 $0x100, s1;
	s9 =	sshll.u32 s8, $0x8  }
0xa: {  	_ =	strace $0x80000047;
	s24 =	sshrl.u32 s2, $0x1;
	s25 =	sshll.u32 s8, $0xF  }
0xb: {  	s0 =	sadd.s32 s9, s0;
	s2 =	ssub.s32 s2, s24;
	s8 =	sadd.s32 s4, s25  }
0xc: {  	v1 =	vlaneseq.u32;
	v2 =	vimm.s32 $0x8;
	v3 =	vimm.s32 $0x10000;
	s24 =	simm.s32 $0xA00;
	s25 =	simm.s32 $0xB00;
	s0 =	sadd.s32 $0x400, s0  }
0xd: {  	vm0 =	vmmov $0xffff;
	v4 =	vand.u32 $0x7, v1;
	v5 =	vshrl.u32 v1, $0x3;
	s26 =	smax.u32 s2, $0x1;
	s2 =	simm.s32 $0x4;
	[dreg:$0x4] =	wrdreg s0  }
0xe: {  	v6 =	vor.u32 $0x8, v1;
	v5 =	vmul.u32 $0x8, v5;
	v0 =	vmov s9;
	[dreg:$0x5] =	wrdreg s26;
	s26 =	simm.s32 $0x10C00;
	s0 =	simm.s32 $0x16C00  }
.LBB2_1:
0xf: {  	s4 =	rddreg [dreg:$0x4];
	s22 =	simm.s32 $0x9  }
0x10: {  	[tilespmem:s3], [sflag:$0x9] =	stream.linear.gather [hbm4b:s4+s3], $0x800, $0x38;
	[tilespmem:$0x18C00] =	vst v63  }
0x11: {  	_ =	swait.ge [sflag:s22], $0x800  }
0x12: {  	[sflag:s22] =	ssyncset.done $0x0  }
0x13: {  	p0 =	por $0x1, $0x1;
	s4 =	simm.s32 $0x0;
	[sflag:s22] =	ssyncadd.s32 $0xFFFFF800  }
.LBB2_2:
0x14: {  	v7 =	vor.u32 s4, v1  }
0x15: {  	v8 =	vshll.u32 v7, $0x3  }
0x16: {  	v9 =	vor.u32 $0x1, v8  }
0x17: {  	v10 =	vor.u32 $0x2, v8  }
0x18: {  	v11 =	vor.u32 $0x3, v8  }
0x19: {  	v12 =	vor.u32 $0x4, v8  }
0x1a: {  	v14 =	vor.u32 $0x5, v8;
	v13 =	vld.idx.msk [tilespmem:v8+s3+$0x0], $0xffff  }
0x1b: {  	v15 =	vor.u32 $0x6, v8;
	v9 =	vld.idx.msk [tilespmem:v9+s3+$0x0], $0xffff  }
0x1c: {  	v8 =	vor.u32 $0x7, v8;
	v10 =	vld.idx.msk [tilespmem:v10+s3+$0x0], $0xffff  }
0x1d: {  	v11 =	vld.idx.msk [tilespmem:v11+s3+$0x0], $0xffff  }
0x1e: {  	v12 =	vld.idx.msk [tilespmem:v12+s3+$0x0], $0xffff  }
0x1f: {  	v14 =	vld.idx.msk [tilespmem:v14+s3+$0x0], $0xffff  }
0x20: {  	v15 =	vld.idx.msk [tilespmem:v15+s3+$0x0], $0xffff;
	v16 =	vmax.f32 v13, v9  }
0x21: {  	v8 =	vld.idx.msk [tilespmem:v8+s3+$0x0], $0xffff;
	v16 =	vmax.f32 v16, v10  }
0x22: {  	v16 =	vmax.f32 v16, v11  }
0x23: {  	v16 =	vmax.f32 v16, v12  }
0x24: {  	v16 =	vmax.f32 v16, v14  }
0x25: {  	v16 =	vmax.f32 v16, v15  }
0x26: {  	v16 =	vmax.f32 v16, v8  }
0x27: {  	vm1 =	veq.f32 v8, v16  }
0x28: {  	v17 =	vsel vm1, $0x7, v2;
	vm1 =	veq.f32 v15, v16  }
0x29: {  	v17 =	vsel vm1, $0x6, v17;
	vm1 =	veq.f32 v14, v16  }
0x2a: {  	v17 =	vsel vm1, $0x5, v17;
	vm1 =	veq.f32 v12, v16  }
0x2b: {  	v17 =	vsel vm1, $0x4, v17;
	vm1 =	veq.f32 v11, v16  }
0x2c: {  	v17 =	vsel vm1, $0x3, v17;
	vm1 =	veq.f32 v10, v16  }
0x2d: {  	v17 =	vsel vm1, $0x2, v17;
	vm1 =	veq.f32 v9, v16  }
0x2e: {  	vm2 =	vne.f32 v13, v16;
	v17 =	vsel vm1, $0x1, v17  }
0x2f: {  	vm1 =	vmand vm2, vm1;
	v17 =	vnsel vm2, $0x0, v17  }
0x30: {  	v13 =	vnsel vm2, $0xFF800000, v13;
	v9 =	vsel vm1, $0xFF800000, v9;
	vm1 =	veq.s32 v17, $0x2  }
0x31: {  	v18 =	vmax.f32 v13, v9;
	v10 =	vsel vm1, $0xFF800000, v10;
	vm1 =	veq.s32 v17, $0x3  }
0x32: {  	v11 =	vsel vm1, $0xFF800000, v11;
	vm1 =	veq.s32 v17, $0x4;
	v18 =	vmax.f32 v18, v10  }
0x33: {  	v12 =	vsel vm1, $0xFF800000, v12;
	vm1 =	veq.s32 v17, $0x5;
	v18 =	vmax.f32 v18, v11  }
0x34: {  	v14 =	vsel vm1, $0xFF800000, v14;
	vm1 =	veq.s32 v17, $0x6;
	v18 =	vmax.f32 v18, v12  }
0x35: {  	v15 =	vsel vm1, $0xFF800000, v15;
	vm1 =	veq.s32 v17, $0x7;
	v18 =	vmax.f32 v18, v14  }
0x36: {  	v8 =	vsel vm1, $0xFF800000, v8;
	v18 =	vmax.f32 v18, v15  }
0x37: {  	v18 =	vmax.f32 v18, v8  }
0x38: {  	v19 =	vadd.f32 v18, v16;
	_ =	sdelay $0x1  }
0x39: {  	v19 =	vadd.f32 $9.999999930e-09, v19;
	_ =	sdelay $0x1  }
0x3a: {  	(erf) = vrcp.f32 v19;
	_ =	sdelay $0x4  }
0x3b: {  	vm1 =	veq.f32 v8, v18  }
0x3c: {  	v8 =	vsel vm1, $0xE000, v3;
	vm1 =	veq.f32 v15, v18  }
0x3d: {  	v58 =	vshll.u32 v7, $0x1;
	v8 =	vsel vm1, $0xC000, v8;
	vm1 =	veq.f32 v14, v18  }
0x3e: {  	v60 =	vor.u32 $0x1, v58;
	v8 =	vsel vm1, $0xA000, v8;
	vm1 =	veq.f32 v12, v18  }
0x3f: {  	v62 =	vshll.u32 v17, $0xD;
	v8 =	vsel vm1, $0x8000, v8;
	vm1 =	veq.f32 v11, v18;
	v57 =	vpop (erf)  }
0x40: {  	p1 =	por p0, p0;
	v8 =	vsel vm1, $0x6000, v8;
	vm1 =	veq.f32 v10, v18;
	v59 =	vmul.f32 v57, v16  }
.Ltmp0:
0x41: {  	v8 =	vsel vm1, $0x4000, v8;
	vm1 =	veq.f32 v9, v18;
	v61 =	vmul.f32 v57, v18;
	(pc) =	sbr.rel @p1 .LBB2_2-.Ltmp0, $4  }
0x42: {  	v10 =	vor.u32 v0, v62;
	v8 =	vsel vm1, $0x2000, v8;
	vm1 =	veq.f32 v13, v18;
	[tilespmem:s4+$0xA00] =	vst v59  }
0x43: {  	v63 =	vor.u32 v7, v10;
	v7 =	vor.u32 v0, v7;
	v8 =	vsel vm1, $0x0, v8;
	[tilespmem:s4+$0xB00] =	vst v61  }
0x44: {  	v7 =	vadd.s32 v8, v7;
	[tilespmem:v58+s11+$0x0] =	vst.idx.msk $0xffff, v63  }
0x45: {  	p0 =	por $0x0, $0x0;
	s4 =	simm.s32 $0x10;
	[tilespmem:v60+s11+$0x0] =	vst.idx.msk $0xffff, v7  }
0x46: {  	v7 =	vld [tilespmem:$0x800];
	_ =	sdelay $0x4  }
0x47: {  	v8 =	vshll.u32 v7, $0x3  }
0x48: {  	v7 =	vand.u32 $0x7, v7;
	v8 =	vand.u32 $0xFFFFFFC0, v8  }
0x49: {  	v7 =	vor.u32 v7, v8  }
0x4a: {  	v8 =	vperm.xlane v7, v4;
	_ =	sdelay $0x1  }
0x4b: {  	v8 =	vadd.s32 v5, v8;
	_ =	sdelay $0x3  }
0x4c: {  	s4 =	simm.s32 $0xC00  }
0x4d: {  	[tilespmem:s4], [sflag:$0x1] =	stream.indirect_vreg.gather [hbm4b:s1+s3], $0x80, v8, vm0, $0xb8;
	[tilespmem:$0x18C00] =	vst v63  }
0x4e: {  	s13 =	simm.s32 $0x1400;
	v7 =	vperm.xlane v7, v6  }
0x4f: {  	[tilespmem:s13], [sflag:$0x1] =	stream.indirect_vreg.gather [hbm4b:s5+s3], $0x80, v8, vm0, $0xb8;
	[tilespmem:$0x18C00] =	vst v63  }
0x50: {  	s14 =	simm.s32 $0x1C00;
	v7 =	vadd.s32 v5, v7  }
0x51: {  	[tilespmem:s14], [sflag:$0x1] =	stream.indirect_vreg.gather [hbm4b:s6+s3], $0x80, v8, vm0, $0xb8;
	[tilespmem:$0x18C00] =	vst v63  }
0x52: {  	s15 =	simm.s32 $0x2400  }
0x53: {  	[tilespmem:s15], [sflag:$0x1] =	stream.indirect_vreg.gather [hbm4b:s7+s3], $0x80, v8, vm0, $0xb8;
	[tilespmem:$0x18C00] =	vst v63  }
0x54: {  	s17 =	simm.s32 $0x2C00  }
0x55: {  	[tilespmem:s17], [sflag:$0x1] =	stream.indirect_vreg.gather [hbm4b:s1+s3], $0x80, v7, vm0, $0xb8;
	[tilespmem:$0x18C00] =	vst v63  }
0x56: {  	s18 =	simm.s32 $0x3400  }
0x57: {  	[tilespmem:s18], [sflag:$0x1] =	stream.indirect_vreg.gather [hbm4b:s5+s3], $0x80, v7, vm0, $0xb8;
	[tilespmem:$0x18C00] =	vst v63  }
0x58: {  	s19 =	simm.s32 $0x3C00  }
0x59: {  	[tilespmem:s19], [sflag:$0x1] =	stream.indirect_vreg.gather [hbm4b:s6+s3], $0x80, v7, vm0, $0xb8;
	[tilespmem:$0x18C00] =	vst v63  }
0x5a: {  	s20 =	simm.s32 $0x4400  }
0x5b: {  	[tilespmem:s20], [sflag:$0x1] =	stream.indirect_vreg.gather [hbm4b:s7+s3], $0x80, v7, vm0, $0xb8;
	[tilespmem:$0x18C00] =	vst v63  }
0x5c: {  	v7 =	vld [tilespmem:$0x810];
	_ =	sdelay $0x4  }
0x5d: {  	v8 =	vshll.u32 v7, $0x3  }
0x5e: {  	v7 =	vand.u32 $0x7, v7;
	v8 =	vand.u32 $0xFFFFFFC0, v8  }
0x5f: {  	v7 =	vor.u32 v7, v8  }
0x60: {  	v8 =	vperm.xlane v7, v4;
	_ =	sdelay $0x1  }
0x61: {  	v8 =	vadd.s32 v5, v8;
	_ =	sdelay $0x3  }
0x62: {  	s21 =	simm.s32 $0x4C00  }
0x63: {  	[tilespmem:s21], [sflag:$0x2] =	stream.indirect_vreg.gather [hbm4b:s1+s3], $0x80, v8, vm0, $0xb8;
	[tilespmem:$0x18C00] =	vst v63  }
0x64: {  	s22 =	simm.s32 $0x5400;
	v7 =	vperm.xlane v7, v6  }
0x65: {  	[tilespmem:s22], [sflag:$0x2] =	stream.indirect_vreg.gather [hbm4b:s5+s3], $0x80, v8, vm0, $0xb8;
	[tilespmem:$0x18C00] =	vst v63  }
0x66: {  	s9 =	simm.s32 $0x5C00;
	v7 =	vadd.s32 v5, v7  }
0x67: {  	[tilespmem:s9], [sflag:$0x2] =	stream.indirect_vreg.gather [hbm4b:s6+s3], $0x80, v8, vm0, $0xb8;
	[tilespmem:$0x18C00] =	vst v63  }
0x68: {  	s10 =	simm.s32 $0x6400  }
0x69: {  	[tilespmem:s10], [sflag:$0x2] =	stream.indirect_vreg.gather [hbm4b:s7+s3], $0x80, v8, vm0, $0xb8;
	[tilespmem:$0x18C00] =	vst v63  }
0x6a: {  	s12 =	simm.s32 $0x6C00  }
0x6b: {  	[tilespmem:s12], [sflag:$0x2] =	stream.indirect_vreg.gather [hbm4b:s1+s3], $0x80, v7, vm0, $0xb8;
	[tilespmem:$0x18C00] =	vst v63  }
0x6c: {  	s13 =	simm.s32 $0x7400  }
0x6d: {  	[tilespmem:s13], [sflag:$0x2] =	stream.indirect_vreg.gather [hbm4b:s5+s3], $0x80, v7, vm0, $0xb8;
	[tilespmem:$0x18C00] =	vst v63  }
0x6e: {  	s14 =	simm.s32 $0x7C00  }
0x6f: {  	[tilespmem:s14], [sflag:$0x2] =	stream.indirect_vreg.gather [hbm4b:s6+s3], $0x80, v7, vm0, $0xb8;
	[tilespmem:$0x18C00] =	vst v63  }
0x70: {  	s15 =	simm.s32 $0x8400  }
0x71: {  	[tilespmem:s15], [sflag:$0x2] =	stream.indirect_vreg.gather [hbm4b:s7+s3], $0x80, v7, vm0, $0xb8;
	[tilespmem:$0x18C00] =	vst v63  }
0x72: {  	v7 =	vld [tilespmem:$0x820];
	_ =	sdelay $0x4  }
0x73: {  	v8 =	vshll.u32 v7, $0x3  }
0x74: {  	v7 =	vand.u32 $0x7, v7;
	v8 =	vand.u32 $0xFFFFFFC0, v8  }
0x75: {  	v7 =	vor.u32 v7, v8  }
0x76: {  	v8 =	vperm.xlane v7, v4;
	_ =	sdelay $0x1  }
0x77: {  	v8 =	vadd.s32 v5, v8;
	_ =	sdelay $0x3  }
0x78: {  	s17 =	simm.s32 $0x8C00  }
0x79: {  	[tilespmem:s17], [sflag:$0x3] =	stream.indirect_vreg.gather [hbm4b:s1+s3], $0x80, v8, vm0, $0xb8;
	[tilespmem:$0x18C00] =	vst v63  }
0x7a: {  	s18 =	simm.s32 $0x9400;
	v7 =	vperm.xlane v7, v6  }
0x7b: {  	[tilespmem:s18], [sflag:$0x3] =	stream.indirect_vreg.gather [hbm4b:s5+s3], $0x80, v8, vm0, $0xb8;
	[tilespmem:$0x18C00] =	vst v63  }
0x7c: {  	s19 =	simm.s32 $0x9C00;
	v7 =	vadd.s32 v5, v7  }
0x7d: {  	[tilespmem:s19], [sflag:$0x3] =	stream.indirect_vreg.gather [hbm4b:s6+s3], $0x80, v8, vm0, $0xb8;
	[tilespmem:$0x18C00] =	vst v63  }
0x7e: {  	s20 =	simm.s32 $0xA400  }
0x7f: {  	[tilespmem:s20], [sflag:$0x3] =	stream.indirect_vreg.gather [hbm4b:s7+s3], $0x80, v8, vm0, $0xb8;
	[tilespmem:$0x18C00] =	vst v63  }
0x80: {  	s21 =	simm.s32 $0xAC00  }
0x81: {  	[tilespmem:s21], [sflag:$0x3] =	stream.indirect_vreg.gather [hbm4b:s1+s3], $0x80, v7, vm0, $0xb8;
	[tilespmem:$0x18C00] =	vst v63  }
0x82: {  	s22 =	simm.s32 $0xB400  }
0x83: {  	[tilespmem:s22], [sflag:$0x3] =	stream.indirect_vreg.gather [hbm4b:s5+s3], $0x80, v7, vm0, $0xb8;
	[tilespmem:$0x18C00] =	vst v63  }
0x84: {  	s9 =	simm.s32 $0xBC00  }
0x85: {  	[tilespmem:s9], [sflag:$0x3] =	stream.indirect_vreg.gather [hbm4b:s6+s3], $0x80, v7, vm0, $0xb8;
	[tilespmem:$0x18C00] =	vst v63  }
0x86: {  	s10 =	simm.s32 $0xC400  }
0x87: {  	[tilespmem:s10], [sflag:$0x3] =	stream.indirect_vreg.gather [hbm4b:s7+s3], $0x80, v7, vm0, $0xb8;
	[tilespmem:$0x18C00] =	vst v63  }
0x88: {  	v7 =	vld [tilespmem:$0x830];
	_ =	sdelay $0x4  }
0x89: {  	v8 =	vshll.u32 v7, $0x3  }
0x8a: {  	v7 =	vand.u32 $0x7, v7;
	v8 =	vand.u32 $0xFFFFFFC0, v8  }
0x8b: {  	v7 =	vor.u32 v7, v8  }
0x8c: {  	v8 =	vperm.xlane v7, v4;
	_ =	sdelay $0x1  }
0x8d: {  	v8 =	vadd.s32 v5, v8;
	_ =	sdelay $0x3  }
0x8e: {  	s12 =	simm.s32 $0xCC00  }
0x8f: {  	[tilespmem:s12], [sflag:$0x4] =	stream.indirect_vreg.gather [hbm4b:s1+s3], $0x80, v8, vm0, $0xb8;
	[tilespmem:$0x18C00] =	vst v63  }
0x90: {  	s13 =	simm.s32 $0xD400;
	v7 =	vperm.xlane v7, v6  }
0x91: {  	[tilespmem:s13], [sflag:$0x4] =	stream.indirect_vreg.gather [hbm4b:s5+s3], $0x80, v8, vm0, $0xb8;
	[tilespmem:$0x18C00] =	vst v63  }
0x92: {  	s14 =	simm.s32 $0xDC00;
	v7 =	vadd.s32 v5, v7  }
0x93: {  	[tilespmem:s14], [sflag:$0x4] =	stream.indirect_vreg.gather [hbm4b:s6+s3], $0x80, v8, vm0, $0xb8;
	[tilespmem:$0x18C00] =	vst v63  }
0x94: {  	s15 =	simm.s32 $0xE400  }
0x95: {  	[tilespmem:s15], [sflag:$0x4] =	stream.indirect_vreg.gather [hbm4b:s7+s3], $0x80, v8, vm0, $0xb8;
	[tilespmem:$0x18C00] =	vst v63  }
0x96: {  	s17 =	simm.s32 $0xEC00  }
0x97: {  	[tilespmem:s17], [sflag:$0x4] =	stream.indirect_vreg.gather [hbm4b:s1+s3], $0x80, v7, vm0, $0xb8;
	[tilespmem:$0x18C00] =	vst v63  }
0x98: {  	s18 =	simm.s32 $0x20;
	s9 =	simm.s32 $0xF400  }
0x99: {  	v10 =	vor.u32 s18, v1;
	[tilespmem:s9], [sflag:$0x4] =	stream.indirect_vreg.gather [hbm4b:s5+s3], $0x80, v7, vm0, $0xb8;
	[tilespmem:$0x18C00] =	vst v63  }
0x9a: {  	s19 =	simm.s32 $0xFC00;
	v8 =	vshll.u32 v10, $0x3  }
0x9b: {  	v9 =	vor.u32 $0x1, v8;
	[tilespmem:s19], [sflag:$0x4] =	stream.indirect_vreg.gather [hbm4b:s6+s3], $0x80, v7, vm0, $0xb8;
	[tilespmem:$0x18C00] =	vst v63  }
0x9c: {  	s20 =	simm.s32 $0x10400;
	v11 =	vor.u32 $0x2, v8  }
0x9d: {  	[tilespmem:s20], [sflag:$0x4] =	stream.indirect_vreg.gather [hbm4b:s7+s3], $0x80, v7, vm0, $0xb8;
	v7 =	vor.u32 $0x3, v8;
	[tilespmem:$0x18C00] =	vst v63  }
0x9e: {  	v12 =	vor.u32 $0x4, v8;
	s17 =	simm.s32 $0x0  }
0x9f: {  	v13 =	vor.u32 $0x5, v8;
	v14 =	vld.idx.msk [tilespmem:v8+s17+$0x0], $0xffff  }
0xa0: {  	v15 =	vor.u32 $0x6, v8;
	v9 =	vld.idx.msk [tilespmem:v9+s17+$0x0], $0xffff  }
0xa1: {  	v8 =	vor.u32 $0x7, v8;
	v11 =	vld.idx.msk [tilespmem:v11+s17+$0x0], $0xffff  }
0xa2: {  	v7 =	vld.idx.msk [tilespmem:v7+s17+$0x0], $0xffff  }
0xa3: {  	v12 =	vld.idx.msk [tilespmem:v12+s17+$0x0], $0xffff  }
0xa4: {  	v13 =	vld.idx.msk [tilespmem:v13+s17+$0x0], $0xffff  }
0xa5: {  	v15 =	vld.idx.msk [tilespmem:v15+s17+$0x0], $0xffff;
	v16 =	vmax.f32 v14, v9  }
0xa6: {  	v8 =	vld.idx.msk [tilespmem:v8+s17+$0x0], $0xffff;
	v16 =	vmax.f32 v16, v11  }
0xa7: {  	v16 =	vmax.f32 v16, v7  }
0xa8: {  	v16 =	vmax.f32 v16, v12  }
0xa9: {  	v16 =	vmax.f32 v16, v13  }
0xaa: {  	v16 =	vmax.f32 v16, v15  }
0xab: {  	v16 =	vmax.f32 v16, v8  }
0xac: {  	vm1 =	veq.f32 v8, v16  }
0xad: {  	v17 =	vsel vm1, $0x7, v2;
	vm1 =	veq.f32 v15, v16  }
0xae: {  	v17 =	vsel vm1, $0x6, v17;
	vm1 =	veq.f32 v13, v16  }
0xaf: {  	vm2 =	veq.f32 v12, v16;
	v17 =	vsel vm1, $0x5, v17  }
0xb0: {  	vm1 =	veq.f32 v7, v16;
	v17 =	vsel vm2, $0x4, v17  }
0xb1: {  	vm2 =	veq.f32 v11, v16;
	v17 =	vsel vm1, $0x3, v17  }
0xb2: {  	vm1 =	veq.f32 v9, v16;
	v17 =	vsel vm2, $0x2, v17  }
0xb3: {  	vm2 =	vne.f32 v14, v16;
	v17 =	vsel vm1, $0x1, v17  }
0xb4: {  	vm1 =	vmand vm2, vm1;
	v17 =	vnsel vm2, $0x0, v17  }
0xb5: {  	v14 =	vnsel vm2, $0xFF800000, v14;
	v9 =	vsel vm1, $0xFF800000, v9;
	vm1 =	veq.s32 v17, $0x2  }
0xb6: {  	v18 =	vmax.f32 v14, v9;
	vm2 =	veq.s32 v17, $0x3;
	v11 =	vsel vm1, $0xFF800000, v11  }
0xb7: {  	vm1 =	veq.s32 v17, $0x4;
	v7 =	vsel vm2, $0xFF800000, v7;
	v18 =	vmax.f32 v18, v11  }
0xb8: {  	vm2 =	veq.s32 v17, $0x5;
	v12 =	vsel vm1, $0xFF800000, v12;
	v18 =	vmax.f32 v18, v7  }
0xb9: {  	vm1 =	veq.s32 v17, $0x6;
	v13 =	vsel vm2, $0xFF800000, v13;
	v18 =	vmax.f32 v18, v12  }
0xba: {  	vm2 =	veq.s32 v17, $0x7;
	v15 =	vsel vm1, $0xFF800000, v15;
	v18 =	vmax.f32 v18, v13  }
0xbb: {  	v8 =	vsel vm2, $0xFF800000, v8;
	v18 =	vmax.f32 v18, v15  }
0xbc: {  	v18 =	vmax.f32 v18, v8  }
0xbd: {  	v19 =	vadd.f32 v18, v16;
	_ =	sdelay $0x1  }
0xbe: {  	v19 =	vadd.f32 $9.999999930e-09, v19;
	_ =	sdelay $0x1  }
0xbf: {  	(erf) = vrcp.f32 v19;
	_ =	sdelay $0x1  }
0xc0: {  	vm1 =	veq.f32 v8, v18  }
0xc1: {  	vm2 =	veq.f32 v15, v18;
	v8 =	vsel vm1, $0xE000, v3  }
0xc2: {  	vm1 =	veq.f32 v13, v18;
	v8 =	vsel vm2, $0xC000, v8  }
0xc3: {  	vm2 =	veq.f32 v11, v18;
	v8 =	vsel vm1, $0xA000, v8;
	vm1 =	veq.f32 v12, v18  }
0xc4: {  	v12 =	vshll.u32 v17, $0xD;
	v8 =	vsel vm1, $0x8000, v8;
	vm1 =	veq.f32 v7, v18  }
0xc5: {  	v7 =	vor.u32 v0, v12;
	v19 =	vshll.u32 v10, $0x1;
	v8 =	vsel vm1, $0x6000, v8  }
0xc6: {  	v17 =	vadd.s32 v10, v7;
	vm1 =	veq.f32 v9, v18;
	v7 =	vsel vm2, $0x4000, v8  }
0xc7: {  	s21 =	simm.s32 $0x30;
	v9 =	vor.u32 $0x1, v19;
	vm2 =	veq.f32 v14, v18;
	v7 =	vsel vm1, $0x2000, v7;
	v11 =	vpop (erf)  }
0xc8: {  	v20 =	vsel vm2, $0x0, v7;
	v7 =	vor.u32 s21, v1;
	v12 =	vmul.f32 v11, v16  }
0xc9: {  	s18 =	simm.s32 $0xA20;
	v8 =	vshll.u32 v7, $0x3;
	v15 =	vmul.f32 v11, v18  }
0xca: {  	s22 =	simm.s32 $0xB20;
	v13 =	vor.u32 $0x1, v8;
	v14 =	vor.u32 $0x4, v8;
	v18 =	vadd.s32 v0, v10;
	[tilespmem:s18+$0x0] =	vst v12  }
0xcb: {  	v10 =	vor.u32 $0x2, v8;
	v11 =	vor.u32 $0x3, v8;
	v16 =	vor.u32 $0x7, v8;
	[tilespmem:s22+$0x0] =	vst v15  }
0xcc: {  	s9 =	simm.s32 $0x40;
	s19 =	simm.s32 $0xB30;
	s20 =	simm.s32 $0x0;
	v12 =	vor.u32 $0x5, v8;
	v15 =	vor.u32 $0x6, v8;
	[tilespmem:v19+s11+$0x0] =	vst.idx.msk $0xffff, v17;
	v17 =	vadd.s32 v20, v18  }
.LBB2_4:
0xcd: {  	[tilespmem:v9+s11+$0x0] =	vst.idx.msk $0xffff, v17;
	s18 =	sadd.s32 $0x10, s18;
	s4 =	smov.u32 s9;
	s21 =	sadd.s32 $0x10, s9  }
0xce: {  	p0 =	sne.s32 s9, $0xF0;
	v8 =	vld.idx.msk [tilespmem:v8+s20+$0x0], $0xffff  }
0xcf: {  	v9 =	vld.idx.msk [tilespmem:v13+s20+$0x0], $0xffff  }
0xd0: {  	v10 =	vld.idx.msk [tilespmem:v10+s20+$0x0], $0xffff  }
0xd1: {  	v11 =	vld.idx.msk [tilespmem:v11+s20+$0x0], $0xffff  }
0xd2: {  	v13 =	vld.idx.msk [tilespmem:v14+s20+$0x0], $0xffff  }
0xd3: {  	v12 =	vld.idx.msk [tilespmem:v12+s20+$0x0], $0xffff  }
0xd4: {  	v14 =	vld.idx.msk [tilespmem:v15+s20+$0x0], $0xffff  }
0xd5: {  	v15 =	vld.idx.msk [tilespmem:v16+s20+$0x0], $0xffff;
	v16 =	vmax.f32 v8, v9;
	s20 =	smov.u32 s17  }
0xd6: {  	v16 =	vmax.f32 v16, v10  }
0xd7: {  	v16 =	vmax.f32 v16, v11  }
0xd8: {  	v16 =	vmax.f32 v16, v13  }
0xd9: {  	v16 =	vmax.f32 v16, v12  }
0xda: {  	v16 =	vmax.f32 v16, v14  }
0xdb: {  	v16 =	vmax.f32 v16, v15  }
0xdc: {  	vm1 =	veq.f32 v15, v16;
	vm2 =	veq.f32 v13, v16;
	vm3 =	vne.f32 v8, v16  }
0xdd: {  	vm4 =	veq.f32 v10, v16;
	v17 =	vsel vm1, $0x7, v2;
	vm1 =	veq.f32 v14, v16  }
0xde: {  	vm5 =	veq.f32 v9, v16;
	v17 =	vsel vm1, $0x6, v17;
	vm1 =	veq.f32 v12, v16  }
0xdf: {  	vm6 =	vmand vm3, vm5;
	v17 =	vsel vm1, $0x5, v17;
	vm1 =	veq.f32 v11, v16  }
0xe0: {  	v8 =	vnsel vm3, $0xFF800000, v8;
	v9 =	vsel vm6, $0xFF800000, v9;
	v17 =	vsel vm2, $0x4, v17  }
0xe1: {  	v17 =	vsel vm1, $0x3, v17  }
0xe2: {  	v17 =	vsel vm4, $0x2, v17  }
0xe3: {  	v17 =	vsel vm5, $0x1, v17  }
0xe4: {  	v18 =	vmax.f32 v8, v9;
	v17 =	vnsel vm3, $0x0, v17  }
0xe5: {  	vm1 =	veq.s32 v17, $0x2;
	vm2 =	veq.s32 v17, $0x3;
	vm3 =	veq.s32 v17, $0x4  }
0xe6: {  	vm4 =	veq.s32 v17, $0x6;
	v10 =	vsel vm1, $0xFF800000, v10;
	vm1 =	veq.s32 v17, $0x5  }
0xe7: {  	v11 =	vsel vm2, $0xFF800000, v11;
	vm2 =	veq.s32 v17, $0x7;
	v18 =	vmax.f32 v18, v10  }
0xe8: {  	v13 =	vsel vm3, $0xFF800000, v13;
	v17 =	vshll.u32 v17, $0xD;
	v18 =	vmax.f32 v18, v11  }
0xe9: {  	v12 =	vsel vm1, $0xFF800000, v12;
	v17 =	vor.u32 v0, v17;
	v18 =	vmax.f32 v18, v13  }
0xea: {  	v14 =	vsel vm4, $0xFF800000, v14;
	v17 =	vadd.s32 v7, v17;
	v18 =	vmax.f32 v18, v12  }
0xeb: {  	v15 =	vsel vm2, $0xFF800000, v15;
	v18 =	vmax.f32 v18, v14  }
0xec: {  	v18 =	vmax.f32 v18, v15  }
0xed: {  	vm1 =	veq.f32 v15, v18;
	vm2 =	veq.f32 v14, v18;
	v14 =	vadd.f32 v18, v16  }
0xee: {  	vm3 =	veq.f32 v9, v18;
	v15 =	vsel vm1, $0xE000, v3;
	vm1 =	veq.f32 v10, v18  }
0xef: {  	v9 =	vsel vm2, $0xC000, v15;
	vm2 =	veq.f32 v12, v18;
	v10 =	vadd.f32 $9.999999930e-09, v14  }
0xf0: {  	vm4 =	veq.f32 v8, v18;
	v9 =	vsel vm2, $0xA000, v9;
	vm2 =	veq.f32 v13, v18  }
0xf1: {  	v8 =	vsel vm2, $0x8000, v9;
	vm2 =	veq.f32 v11, v18;
	(erf) = vrcp.f32 v10  }
0xf2: {  	v8 =	vsel vm2, $0x6000, v8  }
0xf3: {  	v8 =	vsel vm1, $0x4000, v8  }
0xf4: {  	v8 =	vsel vm3, $0x2000, v8  }
0xf5: {  	v19 =	vsel vm4, $0x0, v8;
	_ =	sdelay $0x4  }
0xf6: {  	v20 =	vshll.u32 v7, $0x1;
	v10 =	vpop (erf)  }
.Ltmp1:
0xf7: {  	v11 =	vor.u32 s4, v1;
	v9 =	vor.u32 $0x1, v20;
	v12 =	vmul.f32 v10, v16;
	(pc) =	sbr.rel @p0 .LBB2_4-.Ltmp1, $4  }
0xf8: {  	v8 =	vshll.u32 v11, $0x3;
	v16 =	vmul.f32 v10, v18;
	v18 =	vadd.s32 v0, v7;
	v7 =	vmovc v11  }
0xf9: {  	v13 =	vor.u32 $0x1, v8;
	v10 =	vor.u32 $0x2, v8;
	v11 =	vor.u32 $0x3, v8;
	[tilespmem:s18+$0x0] =	vst v12  }
0xfa: {  	v14 =	vor.u32 $0x4, v8;
	v15 =	vor.u32 $0x6, v8;
	v12 =	vor.u32 $0x5, v8;
	[tilespmem:s19+$0x0] =	vst v16  }
0xfb: {  	s9 =	smov.u32 s21;
	v16 =	vor.u32 $0x7, v8;
	s19 =	sadd.s32 $0x10, s19;
	[tilespmem:v20+s11+$0x0] =	vst.idx.msk $0xffff, v17;
	v17 =	vadd.s32 v19, v18  }
0xfc: {  	_ =	sdelay $0x3  }
0xfd: {  	[tilespmem:v9+s11+$0x0] =	vst.idx.msk $0xffff, v17  }
0xfe: {  	v8 =	vld.idx.msk [tilespmem:v8+s20+$0x0], $0xffff  }
0xff: {  	v9 =	vld.idx.msk [tilespmem:v13+s20+$0x0], $0xffff  }
0x100: {  	v10 =	vld.idx.msk [tilespmem:v10+s20+$0x0], $0xffff  }
0x101: {  	v11 =	vld.idx.msk [tilespmem:v11+s20+$0x0], $0xffff  }
0x102: {  	v49 =	vld.idx.msk [tilespmem:v14+s20+$0x0], $0xffff  }
0x103: {  	v12 =	vld.idx.msk [tilespmem:v12+s20+$0x0], $0xffff  }
0x104: {  	v50 =	vld.idx.msk [tilespmem:v15+s20+$0x0], $0xffff;
	v51 =	vmax.f32 v8, v9  }
0x105: {  	v16 =	vld.idx.msk [tilespmem:v16+s20+$0x0], $0xffff;
	v15 =	vmax.f32 v51, v10  }
0x106: {  	v15 =	vmax.f32 v15, v11  }
0x107: {  	v15 =	vmax.f32 v15, v49  }
0x108: {  	v15 =	vmax.f32 v15, v12  }
0x109: {  	v15 =	vmax.f32 v15, v50  }
0x10a: {  	v15 =	vmax.f32 v15, v16  }
0x10b: {  	vm1 =	veq.f32 v16, v15  }
0x10c: {  	v52 =	vsel vm1, $0x7, v2;
	vm1 =	veq.f32 v50, v15  }
0x10d: {  	v17 =	vsel vm1, $0x6, v52;
	vm1 =	veq.f32 v12, v15  }
0x10e: {  	vm2 =	veq.f32 v49, v15;
	v17 =	vsel vm1, $0x5, v17  }
0x10f: {  	vm1 =	veq.f32 v11, v15;
	v17 =	vsel vm2, $0x4, v17  }
0x110: {  	vm2 =	veq.f32 v10, v15;
	v17 =	vsel vm1, $0x3, v17  }
0x111: {  	vm1 =	veq.f32 v9, v15;
	v17 =	vsel vm2, $0x2, v17  }
0x112: {  	vm2 =	vne.f32 v8, v15;
	v17 =	vsel vm1, $0x1, v17  }
0x113: {  	vm1 =	vmand vm2, vm1;
	v17 =	vnsel vm2, $0x0, v17  }
0x114: {  	v8 =	vnsel vm2, $0xFF800000, v8;
	v9 =	vsel vm1, $0xFF800000, v9;
	vm1 =	veq.s32 v17, $0x2  }
0x115: {  	v18 =	vmax.f32 v8, v9;
	vm2 =	veq.s32 v17, $0x3;
	v10 =	vsel vm1, $0xFF800000, v10  }
0x116: {  	vm1 =	veq.s32 v17, $0x4;
	v11 =	vsel vm2, $0xFF800000, v11;
	v18 =	vmax.f32 v18, v10  }
0x117: {  	vm2 =	veq.s32 v17, $0x5;
	v13 =	vsel vm1, $0xFF800000, v49;
	v18 =	vmax.f32 v18, v11  }
0x118: {  	vm1 =	veq.s32 v17, $0x6;
	v12 =	vsel vm2, $0xFF800000, v12;
	v18 =	vmax.f32 v18, v13  }
0x119: {  	vm2 =	veq.s32 v17, $0x7;
	v14 =	vsel vm1, $0xFF800000, v50;
	v18 =	vmax.f32 v18, v12  }
0x11a: {  	v16 =	vsel vm2, $0xFF800000, v16;
	v18 =	vmax.f32 v18, v14  }
0x11b: {  	v18 =	vmax.f32 v18, v16  }
0x11c: {  	v19 =	vadd.f32 v18, v15;
	_ =	sdelay $0x1  }
0x11d: {  	v19 =	vadd.f32 $9.999999930e-09, v19;
	_ =	sdelay $0x1  }
0x11e: {  	(erf) = vrcp.f32 v19;
	_ =	sdelay $0x4  }
0x11f: {  	vm1 =	veq.f32 v16, v18  }
0x120: {  	vm2 =	veq.f32 v14, v18;
	v53 =	vsel vm1, $0xE000, v3  }
0x121: {  	v56 =	vshll.u32 v7, $0x1;
	vm1 =	veq.f32 v12, v18;
	v14 =	vsel vm2, $0xC000, v53  }
0x122: {  	v59 =	vor.u32 $0x1, v56;
	v55 =	vsel vm1, $0xA000, v14;
	vm1 =	veq.f32 v13, v18  }
0x123: {  	vm2 =	veq.f32 v10, v18;
	v10 =	vsel vm1, $0x8000, v55;
	vm1 =	veq.f32 v11, v18;
	v57 =	vpop (erf)  }
0x124: {  	v54 =	vshll.u32 v17, $0xD;
	v10 =	vsel vm1, $0x6000, v10;
	v58 =	vmul.f32 v57, v15  }
0x125: {  	s4 =	sadd.s32 $0x10, s18;
	vm1 =	veq.f32 v9, v18;
	v60 =	vsel vm2, $0x4000, v10;
	v61 =	vmul.f32 v57, v18  }
0x126: {  	v62 =	vor.u32 v0, v54;
	vm2 =	veq.f32 v8, v18;
	v8 =	vsel vm1, $0x2000, v60;
	[tilespmem:s4+$0x0] =	vst v58  }
0x127: {  	v63 =	vadd.s32 v7, v62;
	v7 =	vadd.s32 v0, v7;
	v8 =	vsel vm2, $0x0, v8;
	[tilespmem:s19+$0x0] =	vst v61  }
0x128: {  	v7 =	vadd.s32 v8, v7;
	[tilespmem:v56+s11+$0x0] =	vst.idx.msk $0xffff, v63  }
0x129: {  	[tilespmem:v59+s11+$0x0] =	vst.idx.msk $0xffff, v7  }
.LBB2_6:
0x12a: {  	_ =	swait.ge [sflag:s23], $0x4000  }
0x12b: {  	p1 =	seq.s32 s17, $0x0;
	[sflag:s23] =	ssyncset.done $0x0  }
0x12c: {  	s4 =	simm.s32 @!p1 $0x5;
	[sflag:s23] =	ssyncadd.s32 $0xFFFFC000  }
0x12d: {  	s19 =	sshll.u32 s17, $0x2;
	s9 =	simm.s32 $0x10C40;
	_ =	swait.ge @!p1 [sflag:s4], $0x2000  }
0x12e: {  	s10 =	simm.s32 $0x0;
	s18 =	simm.s32 $0x0;
	[sflag:s4] =	ssyncset.done @!p1 $0x0  }
0x12f: {  	s20 =	simm.s32 $0x0;
	[sflag:s4] =	ssyncadd.s32 @!p1 $0xFFFFE000;
	s4 =	sshll.u32 s17, $0x5  }
.LBB2_7:
0x130: {  	s12 =	sadd.s32 s4, s20;
	s22 =	sshll.u32 s18, $0x2;
	s13 =	sand.u32 $0x3, s10  }
0x131: {  	v8 =	vmov s12;
	s12 =	sand.u32 $0xFFFF8000, s22;
	s13 =	sshll.u32 s13, $0xA  }
0x132: {  	s12 =	sor.u32 s13, s12  }
0x133: {  	s12 =	sshrl.u32 s12, $0x2  }
0x134: {  	s12 =	sor.u32 $0xC80, s12  }
0x135: {  	v9 =	vld [tilespmem:s12+$0xFFFFFFF0]  }
0x136: {  	v10 =	vld [tilespmem:s12+$0x70]  }
0x137: {  	v12 =	vld [tilespmem:s12+$0x0]  }
0x138: {  	v11 =	vld [tilespmem:s12+$0xFFFFFF90]  }
0x139: {  	v13 =	vld [tilespmem:s12+$0x10]  }
0x13a: {  	v7 =	vld.idx.msk [tilespmem:v8+s24+$0x0], $0xffff  }
0x13b: {  	v8 =	vld.idx.msk [tilespmem:v8+s25+$0x0], $0xffff  }
0x13c: {  	v14 =	vld [tilespmem:s12+$0xFFFFFFA0]  }
0x13d: {  	v15 =	vld [tilespmem:s12+$0x20]  }
0x13e: {  	v16 =	vld [tilespmem:s12+$0xFFFFFFB0]  }
0x13f: {  	v17 =	vld [tilespmem:s12+$0x30]  }
0x140: {  	v18 =	vld [tilespmem:s12+$0xFFFFFFC0];
	v9 =	vmul.f32 v9, v7;
	v10 =	vmul.f32 v10, v8  }
0x141: {  	v20 =	vld [tilespmem:s12+$0x40];
	v19 =	vmul.f32 v11, v7;
	v13 =	vmul.f32 v13, v8  }
0x142: {  	v14 =	vmul.f32 v14, v7;
	v15 =	vmul.f32 v15, v8;
	v11 =	vld [tilespmem:s12+$0xFFFFFFD0];
	v9 =	vadd.f32 v10, v9  }
0x143: {  	v19 =	vadd.f32 v13, v19;
	v10 =	vld [tilespmem:s12+$0x50]  }
0x144: {  	v16 =	vmul.f32 v16, v7;
	v17 =	vmul.f32 v17, v8;
	v21 =	vadd.f32 v15, v14;
	v13 =	vld [tilespmem:s12+$0xFFFFFFE0];
	[tilespmem:s9+$0x30] =	vst v9  }
0x145: {  	v14 =	vld [tilespmem:s12+$0x60];
	v15 =	vmul.f32 v18, v7;
	[tilespmem:s9+$0xFFFFFFD0] =	vst v19  }
0x146: {  	s21 =	simm.s32 $0x0;
	s13 =	sadd.s32 $0x400, s12;
	v16 =	vadd.f32 v17, v16;
	v17 =	vmul.f32 v20, v8;
	v9 =	vmul.f32 v12, v8;
	v12 =	vld [tilespmem:s12+$0xFFFFFF80];
	[tilespmem:s9+$0xFFFFFFE0] =	vst v21;
	s12 =	smov.u32 s9  }
.LBB2_8:
0x147: {  	v18 =	vld [tilespmem:s13+$0xFFFFFFF0];
	v11 =	vmul.f32 v11, v7  }
0x148: {  	s21 =	sadd.s32 $0x8, s21;
	v19 =	vld [tilespmem:s13+$0x70];
	[tilespmem:s12+$0xFFFFFFF0] =	vst v16;
	v15 =	vadd.f32 v17, v15;
	v10 =	vmul.f32 v10, v8  }
0x149: {  	p0 =	slt.u32 s21, $0x38;
	v16 =	vld [tilespmem:s13+$0x0];
	v13 =	vmul.f32 v13, v7  }
0x14a: {  	v17 =	vld [tilespmem:s13+$0xFFFFFF90];
	[tilespmem:s12+$0x0] =	vst v15;
	v10 =	vadd.f32 v10, v11;
	v11 =	vmul.f32 v14, v8  }
0x14b: {  	v14 =	vld [tilespmem:s13+$0x10];
	v12 =	vmul.f32 v12, v7  }
0x14c: {  	v15 =	vld [tilespmem:s13+$0xFFFFFFA0];
	[tilespmem:s12+$0x10] =	vst v10;
	v10 =	vadd.f32 v11, v13  }
0x14d: {  	v13 =	vmul.f32 v18, v7;
	v11 =	vld [tilespmem:s13+$0x20];
	v18 =	vmul.f32 v19, v8;
	v12 =	vadd.f32 v9, v12  }
0x14e: {  	v9 =	vmul.f32 v16, v8;
	v16 =	vld [tilespmem:s13+$0xFFFFFFB0];
	[tilespmem:s12+$0x20] =	vst v10  }
0x14f: {  	v10 =	vmul.f32 v17, v7;
	v17 =	vld [tilespmem:s13+$0x30];
	v13 =	vadd.f32 v18, v13;
	[tilespmem:s12+$0xFFFFFFC0] =	vst v12  }
0x150: {  	s12 =	sadd.s32 $0x400, s12;
	v12 =	vmul.f32 v14, v8;
	v14 =	vld [tilespmem:s13+$0xFFFFFFC0]  }
0x151: {  	v15 =	vmul.f32 v15, v7;
	v18 =	vld [tilespmem:s13+$0x40];
	[tilespmem:s12+$0x30] =	vst v13  }
.Ltmp2:
0x152: {  	v12 =	vadd.f32 v12, v10;
	v13 =	vmul.f32 v11, v8;
	v11 =	vld [tilespmem:s13+$0xFFFFFFD0];
	(pc) =	sbr.rel @p0 .LBB2_8-.Ltmp2, $4  }
0x153: {  	v16 =	vmul.f32 v16, v7;
	v10 =	vld [tilespmem:s13+$0x50]  }
0x154: {  	[tilespmem:s12+$0xFFFFFFD0] =	vst v12;
	v19 =	vadd.f32 v13, v15;
	v17 =	vmul.f32 v17, v8;
	v13 =	vld [tilespmem:s13+$0xFFFFFFE0]  }
0x155: {  	v15 =	vmul.f32 v14, v7;
	v14 =	vld [tilespmem:s13+$0x60]  }
0x156: {  	v12 =	vld [tilespmem:s13+$0xFFFFFF80];
	[tilespmem:s12+$0xFFFFFFE0] =	vst v19;
	v16 =	vadd.f32 v17, v16;
	v17 =	vmul.f32 v18, v8;
	s13 =	sadd.s32 $0x400, s13  }
0x157: {  	_ =	sdelay $0x1  }
0x158: {  	v11 =	vmul.f32 v11, v7;
	s20 =	sadd.s32 $0x1, s20;
	v10 =	vmul.f32 v10, v8  }
0x159: {  	v15 =	vadd.f32 v17, v15;
	p0 =	sne.s32 s20, $0x8;
	v13 =	vmul.f32 v13, v7;
	v8 =	vmul.f32 v14, v8  }
.Ltmp3:
0x15a: {  	[tilespmem:s12+$0xFFFFFFF0] =	vst v16;
	v10 =	vadd.f32 v10, v11;
	v7 =	vmul.f32 v12, v7;
	(pc) =	sbr.rel @p0 .LBB2_7-.Ltmp3, $4  }
0x15b: {  	[tilespmem:s12+$0x0] =	vst v15;
	v8 =	vadd.f32 v8, v13  }
0x15c: {  	[tilespmem:s12+$0x10] =	vst v10;
	v7 =	vadd.f32 v9, v7  }
0x15d: {  	[tilespmem:s12+$0x20] =	vst v8  }
0x15e: {  	s9 =	sadd.s32 $0x80, s9;
	s18 =	sadd.s32 $0x800, s18;
	s10 =	sadd.s32 $0x1, s10;
	[tilespmem:s12+$0xFFFFFFC0] =	vst v7  }
0x15f: {  	p0 =	seq.s32 s17, $0x7  }
0x160: {  	s4 =	sshll.u32 @!p0 s17, $0x6  }
0x161: {  	s18 =	sand.u32 @!p0 $0x3FFFFFC0, s4  }
0x162: {  	v7 =	vld @!p0 [tilespmem:s18+$0x840];
	_ =	sdelay $0x4  }
0x163: {  	v8 =	vshll.u32 @!p0 v7, $0x3  }
0x164: {  	v9 =	vlaneseq.u32 @!p0;
	v7 =	vand.u32 @!p0 $0x7, v7;
	v8 =	vand.u32 @!p0 $0xFFFFFFC0, v8  }
0x165: {  	v10 =	vshrl.u32 @!p0 v9, $0x3;
	v7 =	vor.u32 @!p0 v7, v8;
	v8 =	vand.u32 @!p0 $0x7, v9  }
0x166: {  	v10 =	vmul.u32 @!p0 $0x8, v10;
	v8 =	vperm.xlane @!p0 v7, v8;
	_ =	sdelay $0x1  }
0x167: {  	v8 =	vadd.s32 @!p0 v10, v8;
	_ =	sdelay $0x3  }
0x168: {  	vm1 =	vmmov @!p0 $0xffff;
	s9 =	simm.s32 @!p0 $0xC00;
	s4 =	simm.s32 @!p0 $0x0  }
0x169: {  	v9 =	vor.u32 @!p0 $0x8, v9;
	[tilespmem:s9], [sflag:$0x1] =	stream.indirect_vreg.gather @!p0 [hbm4b:s1+s4], $0x80, v8, vm1, $0xb8;
	[tilespmem:$0x18C00] =	vst v63  }
0x16a: {  	v7 =	vperm.xlane @!p0 v7, v9;
	s9 =	simm.s32 @!p0 $0x1400  }
0x16b: {  	[tilespmem:s9], [sflag:$0x1] =	stream.indirect_vreg.gather @!p0 [hbm4b:s5+s4], $0x80, v8, vm1, $0xb8;
	[tilespmem:$0x18C00] =	vst v63  }
0x16c: {  	v7 =	vadd.s32 @!p0 v10, v7;
	s9 =	simm.s32 @!p0 $0x1C00  }
0x16d: {  	[tilespmem:s9], [sflag:$0x1] =	stream.indirect_vreg.gather @!p0 [hbm4b:s6+s4], $0x80, v8, vm1, $0xb8;
	[tilespmem:$0x18C00] =	vst v63  }
0x16e: {  	s9 =	simm.s32 @!p0 $0x2400  }
0x16f: {  	[tilespmem:s9], [sflag:$0x1] =	stream.indirect_vreg.gather @!p0 [hbm4b:s7+s4], $0x80, v8, vm1, $0xb8;
	[tilespmem:$0x18C00] =	vst v63  }
0x170: {  	s9 =	simm.s32 @!p0 $0x2C00  }
0x171: {  	[tilespmem:s9], [sflag:$0x1] =	stream.indirect_vreg.gather @!p0 [hbm4b:s1+s4], $0x80, v7, vm1, $0xb8;
	[tilespmem:$0x18C00] =	vst v63  }
0x172: {  	s9 =	simm.s32 @!p0 $0x3400  }
0x173: {  	[tilespmem:s9], [sflag:$0x1] =	stream.indirect_vreg.gather @!p0 [hbm4b:s5+s4], $0x80, v7, vm1, $0xb8;
	[tilespmem:$0x18C00] =	vst v63  }
0x174: {  	s9 =	simm.s32 @!p0 $0x3C00  }
0x175: {  	[tilespmem:s9], [sflag:$0x1] =	stream.indirect_vreg.gather @!p0 [hbm4b:s6+s4], $0x80, v7, vm1, $0xb8;
	[tilespmem:$0x18C00] =	vst v63  }
0x176: {  	s22 =	sshll.u32 s17, $0xC;
	s9 =	simm.s32 @!p0 $0x4400  }
0x177: {  	[tilespmem:s9], [sflag:$0x1] =	stream.indirect_vreg.gather @!p0 [hbm4b:s7+s4], $0x80, v7, vm1, $0xb8;
	[tilespmem:$0x18C00] =	vst v63  }
0x178: {  	s4 =	sadd.s32 s22, s8  }
0x179: {  	[hbm4b:s4+s3] =	stream.linear.scatter [tilespmem:s26], [sflag:$0x5], $0x2000, $0x38;
	[tilespmem:$0x18C00] =	vst v63  }
0x17a: {  	_ =	swait.ge [sflag:s28], $0x4000  }
0x17b: {  	[sflag:s28] =	ssyncset.done $0x0  }
0x17c: {  	s4 =	simm.s32 @!p1 $0x6;
	[sflag:s28] =	ssyncadd.s32 $0xFFFFC000  }
0x17d: {  	s20 =	sor.u32 $0x1, s19;
	s10 =	simm.s32 $0x0;
	_ =	swait.ge @!p1 [sflag:s4], $0x2000  }
0x17e: {  	s21 =	sshll.u32 s20, $0x3;
	s22 =	simm.s32 $0x0;
	[sflag:s4] =	ssyncset.done @!p1 $0x0  }
0x17f: {  	s9 =	simm.s32 $0x0;
	[sflag:s4] =	ssyncadd.s32 @!p1 $0xFFFFE000;
	s4 =	simm.s32 $0x12C00  }
.LBB2_11:
0x180: {  	s12 =	sshll.u32 s9, $0x2;
	s13 =	sand.u32 $0x3, s22  }
0x181: {  	s12 =	sand.u32 $0xFFFF8000, s12;
	s13 =	sshll.u32 s13, $0xA  }
0x182: {  	s15 =	sadd.s32 s21, s10;
	s12 =	sor.u32 s13, s12  }
0x183: {  	v8 =	vmov s15;
	s12 =	sshrl.u32 s12, $0x2  }
0x184: {  	s12 =	sor.u32 $0xC00, s12  }
0x185: {  	v10 =	vmov s12;
	_ =	sdelay $0x2  }
0x186: {  	v7 =	vld.idx.msk [tilespmem:v8+s24+$0x0], $0xffff  }
0x187: {  	s12 =	simm.s32 $0x0;
	v8 =	vld.idx.msk [tilespmem:v8+s25+$0x0], $0xffff  }
0x188: {  	v11 =	vld.idx.msk [tilespmem:v10+s12+$0x4070 ss:$0x1], $0xffff  }
0x189: {  	v12 =	vld.idx.msk [tilespmem:v10+s12+$0x40F0 ss:$0x1], $0xffff  }
0x18a: {  	v13 =	vld.idx.msk [tilespmem:v10+s12+$0x4000 ss:$0x1], $0xffff  }
0x18b: {  	v14 =	vld.idx.msk [tilespmem:v10+s12+$0x4080 ss:$0x1], $0xffff  }
0x18c: {  	v15 =	vld.idx.msk [tilespmem:v10+s12+$0x4010 ss:$0x1], $0xffff  }
0x18d: {  	v16 =	vld.idx.msk [tilespmem:v10+s12+$0x4090 ss:$0x1], $0xffff  }
0x18e: {  	v17 =	vld.idx.msk [tilespmem:v10+s12+$0x4020 ss:$0x1], $0xffff  }
0x18f: {  	v9 =	vmov s4;
	v20 =	vld.idx.msk [tilespmem:v10+s12+$0x40A0 ss:$0x1], $0xffff  }
0x190: {  	v21 =	vld.idx.msk [tilespmem:v10+s12+$0x4030 ss:$0x1], $0xffff;
	v18 =	vmul.f32 v11, v7;
	v12 =	vmul.f32 v12, v8  }
0x191: {  	v19 =	vmul.f32 v13, v7;
	v14 =	vmul.f32 v14, v8;
	v11 =	vld.idx.msk [tilespmem:v10+s12+$0x40B0 ss:$0x1], $0xffff  }
0x192: {  	v13 =	vld.idx.msk [tilespmem:v10+s12+$0x4040 ss:$0x1], $0xffff;
	v18 =	vadd.f32 v12, v18  }
0x193: {  	v22 =	vmul.f32 v15, v7;
	v16 =	vmul.f32 v16, v8;
	v15 =	vld.idx.msk [tilespmem:v10+s12+$0x40D0 ss:$0x1], $0xffff;
	v19 =	vadd.f32 v14, v19  }
0x194: {  	v20 =	vmul.f32 v20, v8;
	v12 =	vld.idx.msk [tilespmem:v10+s12+$0x40C0 ss:$0x1], $0xffff;
	[tilespmem:v9+s12+$0x70 ss:$0x1] =	vst.idx.msk $0xffff, v18  }
0x195: {  	v14 =	vld.idx.msk [tilespmem:v10+s12+$0x4050 ss:$0x1], $0xffff;
	v18 =	vmul.f32 v17, v7;
	[tilespmem:v9+s12+$0x0 ss:$0x1] =	vst.idx.msk $0xffff, v19;
	v19 =	vadd.f32 v16, v22  }
0x196: {  	s14 =	simm.s32 $0x1000;
	s13 =	simm.s32 $0x0;
	v17 =	vmul.f32 v21, v7;
	v16 =	vld.idx.msk [tilespmem:v10+s12+$0x4060 ss:$0x1], $0xffff  }
.LBB2_12:
0x197: {  	s15 =	sshra.s32 s14, $0x2;
	[tilespmem:v9+s12+$0x10 ss:$0x1] =	vst.idx.msk $0xffff, v19;
	v18 =	vadd.f32 v20, v18;
	v11 =	vmul.f32 v11, v8;
	v19 =	vld.idx.msk [tilespmem:v10+s12+$0x40E0 ss:$0x1], $0xffff  }
0x198: {  	s13 =	sadd.s32 $0x8, s13;
	v13 =	vmul.f32 v13, v7;
	v20 =	vld.idx.msk [tilespmem:v10+s15+$0x4070 ss:$0x1], $0xffff  }
0x199: {  	p2 =	slt.u32 s13, $0x38;
	v12 =	vmul.f32 v12, v8;
	v21 =	vld.idx.msk [tilespmem:v10+s15+$0x40F0 ss:$0x1], $0xffff;
	[tilespmem:v9+s12+$0x20 ss:$0x1] =	vst.idx.msk $0xffff, v18;
	v11 =	vadd.f32 v11, v17  }
0x19a: {  	v14 =	vmul.f32 v14, v7;
	v17 =	vld.idx.msk [tilespmem:v10+s15+$0x4000 ss:$0x1], $0xffff  }
0x19b: {  	v18 =	vld.idx.msk [tilespmem:v10+s15+$0x4080 ss:$0x1], $0xffff;
	[tilespmem:v9+s12+$0x30 ss:$0x1] =	vst.idx.msk $0xffff, v11;
	v11 =	vadd.f32 v12, v13;
	v12 =	vmul.f32 v15, v8  }
0x19c: {  	v15 =	vmul.f32 v16, v7;
	v13 =	vld.idx.msk [tilespmem:v10+s15+$0x4010 ss:$0x1], $0xffff  }
0x19d: {  	v16 =	vld.idx.msk [tilespmem:v10+s15+$0x4090 ss:$0x1], $0xffff;
	[tilespmem:v9+s12+$0x40 ss:$0x1] =	vst.idx.msk $0xffff, v11;
	v11 =	vadd.f32 v12, v14;
	v12 =	vmul.f32 v19, v8  }
0x19e: {  	v14 =	vld.idx.msk [tilespmem:v10+s15+$0x4020 ss:$0x1], $0xffff  }
0x19f: {  	v19 =	vmul.f32 v20, v7;
	v20 =	vmul.f32 v21, v8;
	v22 =	vld.idx.msk [tilespmem:v10+s15+$0x40A0 ss:$0x1], $0xffff;
	v12 =	vadd.f32 v12, v15  }
0x1a0: {  	v15 =	vmul.f32 v17, v7;
	v17 =	vld.idx.msk [tilespmem:v10+s15+$0x4030 ss:$0x1], $0xffff;
	[tilespmem:v9+s12+$0x50 ss:$0x1] =	vst.idx.msk $0xffff, v11  }
0x1a1: {  	v18 =	vmul.f32 v18, v8;
	v19 =	vadd.f32 v20, v19;
	v11 =	vld.idx.msk [tilespmem:v10+s15+$0x40B0 ss:$0x1], $0xffff;
	[tilespmem:v9+s12+$0x60 ss:$0x1] =	vst.idx.msk $0xffff, v12;
	s12 =	smov.u32 s15  }
.Ltmp4:
0x1a2: {  	v20 =	vmul.f32 v13, v7;
	v13 =	vld.idx.msk [tilespmem:v10+s12+$0x4040 ss:$0x1], $0xffff;
	(pc) =	sbr.rel @p2 .LBB2_12-.Ltmp4, $4  }
0x1a3: {  	v15 =	vadd.f32 v18, v15;
	v16 =	vmul.f32 v16, v8;
	v12 =	vld.idx.msk [tilespmem:v10+s12+$0x40C0 ss:$0x1], $0xffff;
	[tilespmem:v9+s12+$0x70 ss:$0x1] =	vst.idx.msk $0xffff, v19  }
0x1a4: {  	v18 =	vmul.f32 v14, v7;
	v14 =	vld.idx.msk [tilespmem:v10+s12+$0x4050 ss:$0x1], $0xffff  }
0x1a5: {  	v19 =	vadd.f32 v16, v20;
	v20 =	vmul.f32 v22, v8;
	[tilespmem:v9+s12+$0x0 ss:$0x1] =	vst.idx.msk $0xffff, v15;
	v15 =	vld.idx.msk [tilespmem:v10+s12+$0x40D0 ss:$0x1], $0xffff  }
0x1a6: {  	s14 =	sadd.s32 $0x1000, s14;
	v17 =	vmul.f32 v17, v7;
	v16 =	vld.idx.msk [tilespmem:v10+s12+$0x4060 ss:$0x1], $0xffff  }
0x1a7: {  	_ =	sdelay $0x3  }
0x1a8: {  	v10 =	vld.idx.msk [tilespmem:v10+s12+$0x40E0 ss:$0x1], $0xffff  }
0x1a9: {  	v18 =	vadd.f32 v20, v18  }
0x1aa: {  	[tilespmem:v9+s12+$0x10 ss:$0x1] =	vst.idx.msk $0xffff, v19;
	v11 =	vmul.f32 v11, v8  }
0x1ab: {  	v13 =	vmul.f32 v13, v7;
	s10 =	sadd.s32 $0x1, s10;
	v12 =	vmul.f32 v12, v8;
	[tilespmem:v9+s12+$0x20 ss:$0x1] =	vst.idx.msk $0xffff, v18  }
0x1ac: {  	p2 =	sne.s32 s10, $0x8;
	v11 =	vadd.f32 v11, v17;
	v14 =	vmul.f32 v14, v7;
	v15 =	vmul.f32 v15, v8  }
.Ltmp5:
0x1ad: {  	v12 =	vadd.f32 v12, v13;
	v7 =	vmul.f32 v16, v7;
	v8 =	vmul.f32 v10, v8;
	(pc) =	sbr.rel @p2 .LBB2_11-.Ltmp5, $4  }
0x1ae: {  	[tilespmem:v9+s12+$0x30 ss:$0x1] =	vst.idx.msk $0xffff, v11;
	v63 =	vadd.f32 v15, v14  }
0x1af: {  	[tilespmem:v9+s12+$0x40 ss:$0x1] =	vst.idx.msk $0xffff, v12;
	v7 =	vadd.f32 v8, v7  }
0x1b0: {  	[tilespmem:v9+s12+$0x50 ss:$0x1] =	vst.idx.msk $0xffff, v63  }
0x1b1: {  	s9 =	sadd.s32 $0x800, s9;
	s22 =	sadd.s32 $0x1, s22;
	s4 =	sadd.s32 $0x80, s4;
	[tilespmem:v9+s12+$0x60 ss:$0x1] =	vst.idx.msk $0xffff, v7  }
0x1b2: {  	v7 =	vld @!p0 [tilespmem:s18+$0x850];
	_ =	sdelay $0x4  }
0x1b3: {  	v8 =	vshll.u32 @!p0 v7, $0x3  }
0x1b4: {  	v9 =	vlaneseq.u32 @!p0;
	v7 =	vand.u32 @!p0 $0x7, v7;
	v8 =	vand.u32 @!p0 $0xFFFFFFC0, v8  }
0x1b5: {  	v10 =	vshrl.u32 @!p0 v9, $0x3;
	v7 =	vor.u32 @!p0 v7, v8;
	v8 =	vand.u32 @!p0 $0x7, v9  }
0x1b6: {  	v10 =	vmul.u32 @!p0 $0x8, v10;
	v8 =	vperm.xlane @!p0 v7, v8;
	_ =	sdelay $0x1  }
0x1b7: {  	v8 =	vadd.s32 @!p0 v10, v8;
	_ =	sdelay $0x3  }
0x1b8: {  	s4 =	simm.s32 @!p0 $0x0;
	s9 =	simm.s32 @!p0 $0x4C00  }
0x1b9: {  	v9 =	vor.u32 @!p0 $0x8, v9;
	[tilespmem:s9], [sflag:$0x2] =	stream.indirect_vreg.gather @!p0 [hbm4b:s1+s4], $0x80, v8, vm1, $0xb8;
	[tilespmem:$0x18C00] =	vst v63  }
0x1ba: {  	v7 =	vperm.xlane @!p0 v7, v9;
	s9 =	simm.s32 @!p0 $0x5400  }
0x1bb: {  	[tilespmem:s9], [sflag:$0x2] =	stream.indirect_vreg.gather @!p0 [hbm4b:s5+s4], $0x80, v8, vm1, $0xb8;
	[tilespmem:$0x18C00] =	vst v63  }
0x1bc: {  	v7 =	vadd.s32 @!p0 v10, v7;
	s9 =	simm.s32 @!p0 $0x5C00  }
0x1bd: {  	[tilespmem:s9], [sflag:$0x2] =	stream.indirect_vreg.gather @!p0 [hbm4b:s6+s4], $0x80, v8, vm1, $0xb8;
	[tilespmem:$0x18C00] =	vst v63  }
0x1be: {  	s9 =	simm.s32 @!p0 $0x6400  }
0x1bf: {  	[tilespmem:s9], [sflag:$0x2] =	stream.indirect_vreg.gather @!p0 [hbm4b:s7+s4], $0x80, v8, vm1, $0xb8;
	[tilespmem:$0x18C00] =	vst v63  }
0x1c0: {  	s9 =	simm.s32 @!p0 $0x6C00  }
0x1c1: {  	[tilespmem:s9], [sflag:$0x2] =	stream.indirect_vreg.gather @!p0 [hbm4b:s1+s4], $0x80, v7, vm1, $0xb8;
	[tilespmem:$0x18C00] =	vst v63  }
0x1c2: {  	s9 =	simm.s32 @!p0 $0x7400  }
0x1c3: {  	[tilespmem:s9], [sflag:$0x2] =	stream.indirect_vreg.gather @!p0 [hbm4b:s5+s4], $0x80, v7, vm1, $0xb8;
	[tilespmem:$0x18C00] =	vst v63  }
0x1c4: {  	s9 =	simm.s32 @!p0 $0x7C00  }
0x1c5: {  	[tilespmem:s9], [sflag:$0x2] =	stream.indirect_vreg.gather @!p0 [hbm4b:s6+s4], $0x80, v7, vm1, $0xb8;
	[tilespmem:$0x18C00] =	vst v63  }
0x1c6: {  	s22 =	sshll.u32 s20, $0xA;
	s9 =	simm.s32 @!p0 $0x8400  }
0x1c7: {  	[tilespmem:s9], [sflag:$0x2] =	stream.indirect_vreg.gather @!p0 [hbm4b:s7+s4], $0x80, v7, vm1, $0xb8;
	[tilespmem:$0x18C00] =	vst v63  }
0x1c8: {  	s4 =	sadd.s32 s22, s8  }
0x1c9: {  	[hbm4b:s4+s3] =	stream.linear.scatter [tilespmem:s29], [sflag:$0x6], $0x2000, $0x38;
	[tilespmem:$0x18C00] =	vst v63  }
0x1ca: {  	_ =	swait.ge [sflag:s30], $0x4000  }
0x1cb: {  	[sflag:s30] =	ssyncset.done $0x0  }
0x1cc: {  	s4 =	simm.s32 @!p1 $0x7;
	[sflag:s30] =	ssyncadd.s32 $0xFFFFC000  }
0x1cd: {  	s20 =	sor.u32 $0x2, s19;
	s10 =	simm.s32 $0x0;
	_ =	swait.ge @!p1 [sflag:s4], $0x2000  }
0x1ce: {  	s21 =	sshll.u32 s20, $0x3;
	s22 =	simm.s32 $0x0;
	[sflag:s4] =	ssyncset.done @!p1 $0x0  }
0x1cf: {  	s9 =	simm.s32 $0x0;
	[sflag:s4] =	ssyncadd.s32 @!p1 $0xFFFFE000;
	s4 =	simm.s32 $0x10C00  }
.LBB2_15:
0x1d0: {  	s12 =	sshll.u32 s9, $0x2;
	s13 =	sand.u32 $0x3, s22  }
0x1d1: {  	s12 =	sand.u32 $0xFFFF8000, s12;
	s13 =	sshll.u32 s13, $0xA  }
0x1d2: {  	s15 =	sadd.s32 s21, s10;
	s12 =	sor.u32 s13, s12  }
0x1d3: {  	v8 =	vmov s15;
	s12 =	sshrl.u32 s12, $0x2  }
0x1d4: {  	s12 =	sor.u32 $0xC00, s12  }
0x1d5: {  	v10 =	vmov s12;
	_ =	sdelay $0x2  }
0x1d6: {  	v7 =	vld.idx.msk [tilespmem:v8+s24+$0x0], $0xffff  }
0x1d7: {  	s12 =	simm.s32 $0x0;
	v8 =	vld.idx.msk [tilespmem:v8+s25+$0x0], $0xffff  }
0x1d8: {  	v11 =	vld.idx.msk [tilespmem:v10+s12+$0x8070 ss:$0x1], $0xffff  }
0x1d9: {  	v12 =	vld.idx.msk [tilespmem:v10+s12+$0x80F0 ss:$0x1], $0xffff  }
0x1da: {  	v13 =	vld.idx.msk [tilespmem:v10+s12+$0x8000 ss:$0x1], $0xffff  }
0x1db: {  	v14 =	vld.idx.msk [tilespmem:v10+s12+$0x8080 ss:$0x1], $0xffff  }
0x1dc: {  	v15 =	vld.idx.msk [tilespmem:v10+s12+$0x8010 ss:$0x1], $0xffff  }
0x1dd: {  	v16 =	vld.idx.msk [tilespmem:v10+s12+$0x8090 ss:$0x1], $0xffff  }
0x1de: {  	v17 =	vld.idx.msk [tilespmem:v10+s12+$0x8020 ss:$0x1], $0xffff  }
0x1df: {  	v9 =	vmov s4;
	v20 =	vld.idx.msk [tilespmem:v10+s12+$0x80A0 ss:$0x1], $0xffff  }
0x1e0: {  	v21 =	vld.idx.msk [tilespmem:v10+s12+$0x8030 ss:$0x1], $0xffff;
	v18 =	vmul.f32 v11, v7;
	v12 =	vmul.f32 v12, v8  }
0x1e1: {  	v19 =	vmul.f32 v13, v7;
	v14 =	vmul.f32 v14, v8;
	v11 =	vld.idx.msk [tilespmem:v10+s12+$0x80B0 ss:$0x1], $0xffff  }
0x1e2: {  	v13 =	vld.idx.msk [tilespmem:v10+s12+$0x8040 ss:$0x1], $0xffff;
	v18 =	vadd.f32 v12, v18  }
0x1e3: {  	v22 =	vmul.f32 v15, v7;
	v16 =	vmul.f32 v16, v8;
	v15 =	vld.idx.msk [tilespmem:v10+s12+$0x80D0 ss:$0x1], $0xffff;
	v19 =	vadd.f32 v14, v19  }
0x1e4: {  	v20 =	vmul.f32 v20, v8;
	v12 =	vld.idx.msk [tilespmem:v10+s12+$0x80C0 ss:$0x1], $0xffff;
	[tilespmem:v9+s12+$0x4070 ss:$0x1] =	vst.idx.msk $0xffff, v18  }
0x1e5: {  	v14 =	vld.idx.msk [tilespmem:v10+s12+$0x8050 ss:$0x1], $0xffff;
	v18 =	vmul.f32 v17, v7;
	[tilespmem:v9+s12+$0x4000 ss:$0x1] =	vst.idx.msk $0xffff, v19;
	v19 =	vadd.f32 v16, v22  }
0x1e6: {  	s14 =	simm.s32 $0x1000;
	s13 =	simm.s32 $0x0;
	v17 =	vmul.f32 v21, v7;
	v16 =	vld.idx.msk [tilespmem:v10+s12+$0x8060 ss:$0x1], $0xffff  }
.LBB2_16:
0x1e7: {  	s15 =	sshra.s32 s14, $0x2;
	[tilespmem:v9+s12+$0x4010 ss:$0x1] =	vst.idx.msk $0xffff, v19;
	v18 =	vadd.f32 v20, v18;
	v11 =	vmul.f32 v11, v8;
	v19 =	vld.idx.msk [tilespmem:v10+s12+$0x80E0 ss:$0x1], $0xffff  }
0x1e8: {  	s13 =	sadd.s32 $0x8, s13;
	v13 =	vmul.f32 v13, v7;
	v20 =	vld.idx.msk [tilespmem:v10+s15+$0x8070 ss:$0x1], $0xffff  }
0x1e9: {  	p2 =	slt.u32 s13, $0x38;
	v12 =	vmul.f32 v12, v8;
	v21 =	vld.idx.msk [tilespmem:v10+s15+$0x80F0 ss:$0x1], $0xffff;
	[tilespmem:v9+s12+$0x4020 ss:$0x1] =	vst.idx.msk $0xffff, v18;
	v11 =	vadd.f32 v11, v17  }
0x1ea: {  	v14 =	vmul.f32 v14, v7;
	v17 =	vld.idx.msk [tilespmem:v10+s15+$0x8000 ss:$0x1], $0xffff  }
0x1eb: {  	v18 =	vld.idx.msk [tilespmem:v10+s15+$0x8080 ss:$0x1], $0xffff;
	[tilespmem:v9+s12+$0x4030 ss:$0x1] =	vst.idx.msk $0xffff, v11;
	v11 =	vadd.f32 v12, v13;
	v12 =	vmul.f32 v15, v8  }
0x1ec: {  	v15 =	vmul.f32 v16, v7;
	v13 =	vld.idx.msk [tilespmem:v10+s15+$0x8010 ss:$0x1], $0xffff  }
0x1ed: {  	v16 =	vld.idx.msk [tilespmem:v10+s15+$0x8090 ss:$0x1], $0xffff;
	[tilespmem:v9+s12+$0x4040 ss:$0x1] =	vst.idx.msk $0xffff, v11;
	v11 =	vadd.f32 v12, v14;
	v12 =	vmul.f32 v19, v8  }
0x1ee: {  	v14 =	vld.idx.msk [tilespmem:v10+s15+$0x8020 ss:$0x1], $0xffff  }
0x1ef: {  	v19 =	vmul.f32 v20, v7;
	v20 =	vmul.f32 v21, v8;
	v22 =	vld.idx.msk [tilespmem:v10+s15+$0x80A0 ss:$0x1], $0xffff;
	v12 =	vadd.f32 v12, v15  }
0x1f0: {  	v15 =	vmul.f32 v17, v7;
	v17 =	vld.idx.msk [tilespmem:v10+s15+$0x8030 ss:$0x1], $0xffff;
	[tilespmem:v9+s12+$0x4050 ss:$0x1] =	vst.idx.msk $0xffff, v11  }
0x1f1: {  	v18 =	vmul.f32 v18, v8;
	v19 =	vadd.f32 v20, v19;
	v11 =	vld.idx.msk [tilespmem:v10+s15+$0x80B0 ss:$0x1], $0xffff;
	[tilespmem:v9+s12+$0x4060 ss:$0x1] =	vst.idx.msk $0xffff, v12;
	s12 =	smov.u32 s15  }
.Ltmp6:
0x1f2: {  	v20 =	vmul.f32 v13, v7;
	v13 =	vld.idx.msk [tilespmem:v10+s12+$0x8040 ss:$0x1], $0xffff;
	(pc) =	sbr.rel @p2 .LBB2_16-.Ltmp6, $4  }
0x1f3: {  	v15 =	vadd.f32 v18, v15;
	v16 =	vmul.f32 v16, v8;
	v12 =	vld.idx.msk [tilespmem:v10+s12+$0x80C0 ss:$0x1], $0xffff;
	[tilespmem:v9+s12+$0x4070 ss:$0x1] =	vst.idx.msk $0xffff, v19  }
0x1f4: {  	v18 =	vmul.f32 v14, v7;
	v14 =	vld.idx.msk [tilespmem:v10+s12+$0x8050 ss:$0x1], $0xffff  }
0x1f5: {  	v19 =	vadd.f32 v16, v20;
	v20 =	vmul.f32 v22, v8;
	[tilespmem:v9+s12+$0x4000 ss:$0x1] =	vst.idx.msk $0xffff, v15;
	v15 =	vld.idx.msk [tilespmem:v10+s12+$0x80D0 ss:$0x1], $0xffff  }
0x1f6: {  	s14 =	sadd.s32 $0x1000, s14;
	v17 =	vmul.f32 v17, v7;
	v16 =	vld.idx.msk [tilespmem:v10+s12+$0x8060 ss:$0x1], $0xffff  }
0x1f7: {  	_ =	sdelay $0x3  }
0x1f8: {  	v10 =	vld.idx.msk [tilespmem:v10+s12+$0x80E0 ss:$0x1], $0xffff  }
0x1f9: {  	v18 =	vadd.f32 v20, v18  }
0x1fa: {  	[tilespmem:v9+s12+$0x4010 ss:$0x1] =	vst.idx.msk $0xffff, v19;
	v11 =	vmul.f32 v11, v8  }
0x1fb: {  	v13 =	vmul.f32 v13, v7;
	s10 =	sadd.s32 $0x1, s10;
	v12 =	vmul.f32 v12, v8;
	[tilespmem:v9+s12+$0x4020 ss:$0x1] =	vst.idx.msk $0xffff, v18  }
0x1fc: {  	p2 =	sne.s32 s10, $0x8;
	v11 =	vadd.f32 v11, v17;
	v14 =	vmul.f32 v14, v7;
	v15 =	vmul.f32 v15, v8  }
.Ltmp7:
0x1fd: {  	v12 =	vadd.f32 v12, v13;
	v7 =	vmul.f32 v16, v7;
	v8 =	vmul.f32 v10, v8;
	(pc) =	sbr.rel @p2 .LBB2_15-.Ltmp7, $4  }
0x1fe: {  	[tilespmem:v9+s12+$0x4030 ss:$0x1] =	vst.idx.msk $0xffff, v11;
	v63 =	vadd.f32 v15, v14  }
0x1ff: {  	[tilespmem:v9+s12+$0x4040 ss:$0x1] =	vst.idx.msk $0xffff, v12;
	v7 =	vadd.f32 v8, v7  }
0x200: {  	[tilespmem:v9+s12+$0x4050 ss:$0x1] =	vst.idx.msk $0xffff, v63  }
0x201: {  	s9 =	sadd.s32 $0x800, s9;
	s22 =	sadd.s32 $0x1, s22;
	s4 =	sadd.s32 $0x80, s4;
	[tilespmem:v9+s12+$0x4060 ss:$0x1] =	vst.idx.msk $0xffff, v7  }
0x202: {  	v7 =	vld @!p0 [tilespmem:s18+$0x860];
	_ =	sdelay $0x4  }
0x203: {  	v8 =	vshll.u32 @!p0 v7, $0x3  }
0x204: {  	v9 =	vlaneseq.u32 @!p0;
	v7 =	vand.u32 @!p0 $0x7, v7;
	v8 =	vand.u32 @!p0 $0xFFFFFFC0, v8  }
0x205: {  	v10 =	vshrl.u32 @!p0 v9, $0x3;
	v7 =	vor.u32 @!p0 v7, v8;
	v8 =	vand.u32 @!p0 $0x7, v9  }
0x206: {  	v10 =	vmul.u32 @!p0 $0x8, v10;
	v8 =	vperm.xlane @!p0 v7, v8;
	_ =	sdelay $0x1  }
0x207: {  	v8 =	vadd.s32 @!p0 v10, v8;
	_ =	sdelay $0x3  }
0x208: {  	s4 =	simm.s32 @!p0 $0x0;
	s9 =	simm.s32 @!p0 $0x8C00  }
0x209: {  	v9 =	vor.u32 @!p0 $0x8, v9;
	[tilespmem:s9], [sflag:$0x3] =	stream.indirect_vreg.gather @!p0 [hbm4b:s1+s4], $0x80, v8, vm1, $0xb8;
	[tilespmem:$0x18C00] =	vst v63  }
0x20a: {  	v7 =	vperm.xlane @!p0 v7, v9;
	s9 =	simm.s32 @!p0 $0x9400  }
0x20b: {  	[tilespmem:s9], [sflag:$0x3] =	stream.indirect_vreg.gather @!p0 [hbm4b:s5+s4], $0x80, v8, vm1, $0xb8;
	[tilespmem:$0x18C00] =	vst v63  }
0x20c: {  	v7 =	vadd.s32 @!p0 v10, v7;
	s9 =	simm.s32 @!p0 $0x9C00  }
0x20d: {  	[tilespmem:s9], [sflag:$0x3] =	stream.indirect_vreg.gather @!p0 [hbm4b:s6+s4], $0x80, v8, vm1, $0xb8;
	[tilespmem:$0x18C00] =	vst v63  }
0x20e: {  	s9 =	simm.s32 @!p0 $0xA400  }
0x20f: {  	[tilespmem:s9], [sflag:$0x3] =	stream.indirect_vreg.gather @!p0 [hbm4b:s7+s4], $0x80, v8, vm1, $0xb8;
	[tilespmem:$0x18C00] =	vst v63  }
0x210: {  	s9 =	simm.s32 @!p0 $0xAC00  }
0x211: {  	[tilespmem:s9], [sflag:$0x3] =	stream.indirect_vreg.gather @!p0 [hbm4b:s1+s4], $0x80, v7, vm1, $0xb8;
	[tilespmem:$0x18C00] =	vst v63  }
0x212: {  	s9 =	simm.s32 @!p0 $0xB400  }
0x213: {  	[tilespmem:s9], [sflag:$0x3] =	stream.indirect_vreg.gather @!p0 [hbm4b:s5+s4], $0x80, v7, vm1, $0xb8;
	[tilespmem:$0x18C00] =	vst v63  }
0x214: {  	s9 =	simm.s32 @!p0 $0xBC00  }
0x215: {  	[tilespmem:s9], [sflag:$0x3] =	stream.indirect_vreg.gather @!p0 [hbm4b:s6+s4], $0x80, v7, vm1, $0xb8;
	[tilespmem:$0x18C00] =	vst v63  }
0x216: {  	s22 =	sshll.u32 s20, $0xA;
	s9 =	simm.s32 @!p0 $0xC400  }
0x217: {  	[tilespmem:s9], [sflag:$0x3] =	stream.indirect_vreg.gather @!p0 [hbm4b:s7+s4], $0x80, v7, vm1, $0xb8;
	[tilespmem:$0x18C00] =	vst v63  }
0x218: {  	s4 =	sadd.s32 s22, s8  }
0x219: {  	[hbm4b:s4+s3] =	stream.linear.scatter [tilespmem:s31], [sflag:$0x7], $0x2000, $0x38;
	[tilespmem:$0x18C00] =	vst v63  }
0x21a: {  	_ =	swait.ge [sflag:s2], $0x4000  }
0x21b: {  	[sflag:s2] =	ssyncset.done $0x0  }
0x21c: {  	s4 =	simm.s32 @!p1 $0x8;
	[sflag:s2] =	ssyncadd.s32 $0xFFFFC000  }
0x21d: {  	s19 =	sor.u32 $0x3, s19;
	s21 =	simm.s32 $0x0;
	_ =	swait.ge @!p1 [sflag:s4], $0x2000  }
0x21e: {  	s10 =	simm.s32 $0x0;
	s20 =	sshll.u32 s19, $0x3;
	[sflag:s4] =	ssyncset.done @!p1 $0x0  }
0x21f: {  	s9 =	simm.s32 $0x0;
	[sflag:s4] =	ssyncadd.s32 @!p1 $0xFFFFE000;
	s4 =	simm.s32 $0x10C00  }
.LBB2_19:
0x220: {  	s12 =	sshll.u32 s9, $0x2;
	s13 =	sand.u32 $0x3, s21  }
0x221: {  	s12 =	sand.u32 $0xFFFF8000, s12;
	s13 =	sshll.u32 s13, $0xA  }
0x222: {  	s22 =	sadd.s32 s20, s10;
	s12 =	sor.u32 s13, s12  }
0x223: {  	v8 =	vmov s22;
	s12 =	sshrl.u32 s12, $0x2  }
0x224: {  	s12 =	sor.u32 $0xC00, s12  }
0x225: {  	v10 =	vmov s12;
	_ =	sdelay $0x2  }
0x226: {  	v7 =	vld.idx.msk [tilespmem:v8+s24+$0x0], $0xffff  }
0x227: {  	s12 =	simm.s32 $0x0;
	v8 =	vld.idx.msk [tilespmem:v8+s25+$0x0], $0xffff  }
0x228: {  	v11 =	vld.idx.msk [tilespmem:v10+s12+$0xC070 ss:$0x1], $0xffff  }
0x229: {  	v12 =	vld.idx.msk [tilespmem:v10+s12+$0xC0F0 ss:$0x1], $0xffff  }
0x22a: {  	v13 =	vld.idx.msk [tilespmem:v10+s12+$0xC000 ss:$0x1], $0xffff  }
0x22b: {  	v14 =	vld.idx.msk [tilespmem:v10+s12+$0xC080 ss:$0x1], $0xffff  }
0x22c: {  	v15 =	vld.idx.msk [tilespmem:v10+s12+$0xC010 ss:$0x1], $0xffff  }
0x22d: {  	v16 =	vld.idx.msk [tilespmem:v10+s12+$0xC090 ss:$0x1], $0xffff  }
0x22e: {  	v17 =	vld.idx.msk [tilespmem:v10+s12+$0xC020 ss:$0x1], $0xffff  }
0x22f: {  	v9 =	vmov s4;
	v20 =	vld.idx.msk [tilespmem:v10+s12+$0xC0A0 ss:$0x1], $0xffff  }
0x230: {  	v21 =	vld.idx.msk [tilespmem:v10+s12+$0xC030 ss:$0x1], $0xffff;
	v18 =	vmul.f32 v11, v7;
	v12 =	vmul.f32 v12, v8  }
0x231: {  	v19 =	vmul.f32 v13, v7;
	v14 =	vmul.f32 v14, v8;
	v11 =	vld.idx.msk [tilespmem:v10+s12+$0xC0B0 ss:$0x1], $0xffff  }
0x232: {  	v13 =	vld.idx.msk [tilespmem:v10+s12+$0xC040 ss:$0x1], $0xffff;
	v18 =	vadd.f32 v12, v18  }
0x233: {  	v22 =	vmul.f32 v15, v7;
	v16 =	vmul.f32 v16, v8;
	v15 =	vld.idx.msk [tilespmem:v10+s12+$0xC0D0 ss:$0x1], $0xffff;
	v19 =	vadd.f32 v14, v19  }
0x234: {  	v20 =	vmul.f32 v20, v8;
	v12 =	vld.idx.msk [tilespmem:v10+s12+$0xC0C0 ss:$0x1], $0xffff;
	[tilespmem:v9+s12+$0x6070 ss:$0x1] =	vst.idx.msk $0xffff, v18  }
0x235: {  	v14 =	vld.idx.msk [tilespmem:v10+s12+$0xC050 ss:$0x1], $0xffff;
	v18 =	vmul.f32 v17, v7;
	[tilespmem:v9+s12+$0x6000 ss:$0x1] =	vst.idx.msk $0xffff, v19;
	v19 =	vadd.f32 v16, v22  }
0x236: {  	s14 =	simm.s32 $0x1000;
	s13 =	simm.s32 $0x0;
	v17 =	vmul.f32 v21, v7;
	v16 =	vld.idx.msk [tilespmem:v10+s12+$0xC060 ss:$0x1], $0xffff  }
.LBB2_20:
0x237: {  	s15 =	sshra.s32 s14, $0x2;
	[tilespmem:v9+s12+$0x6010 ss:$0x1] =	vst.idx.msk $0xffff, v19;
	v18 =	vadd.f32 v20, v18;
	v11 =	vmul.f32 v11, v8;
	v19 =	vld.idx.msk [tilespmem:v10+s12+$0xC0E0 ss:$0x1], $0xffff  }
0x238: {  	s13 =	sadd.s32 $0x8, s13;
	v13 =	vmul.f32 v13, v7;
	v20 =	vld.idx.msk [tilespmem:v10+s15+$0xC070 ss:$0x1], $0xffff  }
0x239: {  	p1 =	slt.u32 s13, $0x38;
	v12 =	vmul.f32 v12, v8;
	v21 =	vld.idx.msk [tilespmem:v10+s15+$0xC0F0 ss:$0x1], $0xffff;
	[tilespmem:v9+s12+$0x6020 ss:$0x1] =	vst.idx.msk $0xffff, v18;
	v11 =	vadd.f32 v11, v17  }
0x23a: {  	v14 =	vmul.f32 v14, v7;
	v17 =	vld.idx.msk [tilespmem:v10+s15+$0xC000 ss:$0x1], $0xffff  }
0x23b: {  	v18 =	vld.idx.msk [tilespmem:v10+s15+$0xC080 ss:$0x1], $0xffff;
	[tilespmem:v9+s12+$0x6030 ss:$0x1] =	vst.idx.msk $0xffff, v11;
	v11 =	vadd.f32 v12, v13;
	v12 =	vmul.f32 v15, v8  }
0x23c: {  	v15 =	vmul.f32 v16, v7;
	v13 =	vld.idx.msk [tilespmem:v10+s15+$0xC010 ss:$0x1], $0xffff  }
0x23d: {  	v16 =	vld.idx.msk [tilespmem:v10+s15+$0xC090 ss:$0x1], $0xffff;
	[tilespmem:v9+s12+$0x6040 ss:$0x1] =	vst.idx.msk $0xffff, v11;
	v11 =	vadd.f32 v12, v14;
	v12 =	vmul.f32 v19, v8  }
0x23e: {  	v14 =	vld.idx.msk [tilespmem:v10+s15+$0xC020 ss:$0x1], $0xffff  }
0x23f: {  	v19 =	vmul.f32 v20, v7;
	v20 =	vmul.f32 v21, v8;
	v22 =	vld.idx.msk [tilespmem:v10+s15+$0xC0A0 ss:$0x1], $0xffff;
	v12 =	vadd.f32 v12, v15  }
0x240: {  	v15 =	vmul.f32 v17, v7;
	v17 =	vld.idx.msk [tilespmem:v10+s15+$0xC030 ss:$0x1], $0xffff;
	[tilespmem:v9+s12+$0x6050 ss:$0x1] =	vst.idx.msk $0xffff, v11  }
0x241: {  	v18 =	vmul.f32 v18, v8;
	v19 =	vadd.f32 v20, v19;
	v11 =	vld.idx.msk [tilespmem:v10+s15+$0xC0B0 ss:$0x1], $0xffff;
	[tilespmem:v9+s12+$0x6060 ss:$0x1] =	vst.idx.msk $0xffff, v12;
	s12 =	smov.u32 s15  }
.Ltmp8:
0x242: {  	v20 =	vmul.f32 v13, v7;
	v13 =	vld.idx.msk [tilespmem:v10+s12+$0xC040 ss:$0x1], $0xffff;
	(pc) =	sbr.rel @p1 .LBB2_20-.Ltmp8, $4  }
0x243: {  	v15 =	vadd.f32 v18, v15;
	v16 =	vmul.f32 v16, v8;
	v12 =	vld.idx.msk [tilespmem:v10+s12+$0xC0C0 ss:$0x1], $0xffff;
	[tilespmem:v9+s12+$0x6070 ss:$0x1] =	vst.idx.msk $0xffff, v19  }
0x244: {  	v18 =	vmul.f32 v14, v7;
	v14 =	vld.idx.msk [tilespmem:v10+s12+$0xC050 ss:$0x1], $0xffff  }
0x245: {  	v19 =	vadd.f32 v16, v20;
	v20 =	vmul.f32 v22, v8;
	[tilespmem:v9+s12+$0x6000 ss:$0x1] =	vst.idx.msk $0xffff, v15;
	v15 =	vld.idx.msk [tilespmem:v10+s12+$0xC0D0 ss:$0x1], $0xffff  }
0x246: {  	s14 =	sadd.s32 $0x1000, s14;
	v17 =	vmul.f32 v17, v7;
	v16 =	vld.idx.msk [tilespmem:v10+s12+$0xC060 ss:$0x1], $0xffff  }
0x247: {  	_ =	sdelay $0x3  }
0x248: {  	v10 =	vld.idx.msk [tilespmem:v10+s12+$0xC0E0 ss:$0x1], $0xffff  }
0x249: {  	v18 =	vadd.f32 v20, v18  }
0x24a: {  	[tilespmem:v9+s12+$0x6010 ss:$0x1] =	vst.idx.msk $0xffff, v19;
	v11 =	vmul.f32 v11, v8  }
0x24b: {  	v13 =	vmul.f32 v13, v7;
	s10 =	sadd.s32 $0x1, s10;
	v12 =	vmul.f32 v12, v8;
	[tilespmem:v9+s12+$0x6020 ss:$0x1] =	vst.idx.msk $0xffff, v18  }
0x24c: {  	p1 =	sne.s32 s10, $0x8;
	v11 =	vadd.f32 v11, v17;
	v14 =	vmul.f32 v14, v7;
	v15 =	vmul.f32 v15, v8  }
.Ltmp9:
0x24d: {  	v12 =	vadd.f32 v12, v13;
	v7 =	vmul.f32 v16, v7;
	v8 =	vmul.f32 v10, v8;
	(pc) =	sbr.rel @p1 .LBB2_19-.Ltmp9, $4  }
0x24e: {  	[tilespmem:v9+s12+$0x6030 ss:$0x1] =	vst.idx.msk $0xffff, v11;
	v63 =	vadd.f32 v15, v14  }
0x24f: {  	[tilespmem:v9+s12+$0x6040 ss:$0x1] =	vst.idx.msk $0xffff, v12;
	v7 =	vadd.f32 v8, v7  }
0x250: {  	[tilespmem:v9+s12+$0x6050 ss:$0x1] =	vst.idx.msk $0xffff, v63  }
0x251: {  	s9 =	sadd.s32 $0x800, s9;
	s21 =	sadd.s32 $0x1, s21;
	s4 =	sadd.s32 $0x80, s4;
	[tilespmem:v9+s12+$0x6060 ss:$0x1] =	vst.idx.msk $0xffff, v7  }
0x252: {  	v7 =	vld @!p0 [tilespmem:s18+$0x870];
	_ =	sdelay $0x4  }
0x253: {  	v8 =	vshll.u32 @!p0 v7, $0x3  }
0x254: {  	v9 =	vlaneseq.u32 @!p0;
	v7 =	vand.u32 @!p0 $0x7, v7;
	v8 =	vand.u32 @!p0 $0xFFFFFFC0, v8  }
0x255: {  	v10 =	vshrl.u32 @!p0 v9, $0x3;
	v7 =	vor.u32 @!p0 v7, v8;
	v8 =	vand.u32 @!p0 $0x7, v9  }
0x256: {  	v10 =	vmul.u32 @!p0 $0x8, v10;
	v8 =	vperm.xlane @!p0 v7, v8;
	_ =	sdelay $0x1  }
0x257: {  	v8 =	vadd.s32 @!p0 v10, v8;
	_ =	sdelay $0x3  }
0x258: {  	s4 =	simm.s32 @!p0 $0x0;
	s9 =	simm.s32 @!p0 $0xCC00  }
0x259: {  	v9 =	vor.u32 @!p0 $0x8, v9;
	[tilespmem:s9], [sflag:$0x4] =	stream.indirect_vreg.gather @!p0 [hbm4b:s1+s4], $0x80, v8, vm1, $0xb8;
	[tilespmem:$0x18C00] =	vst v63  }
0x25a: {  	v7 =	vperm.xlane @!p0 v7, v9;
	s9 =	simm.s32 @!p0 $0xD400  }
0x25b: {  	[tilespmem:s9], [sflag:$0x4] =	stream.indirect_vreg.gather @!p0 [hbm4b:s5+s4], $0x80, v8, vm1, $0xb8;
	[tilespmem:$0x18C00] =	vst v63  }
0x25c: {  	v7 =	vadd.s32 @!p0 v10, v7;
	s9 =	simm.s32 @!p0 $0xDC00  }
0x25d: {  	[tilespmem:s9], [sflag:$0x4] =	stream.indirect_vreg.gather @!p0 [hbm4b:s6+s4], $0x80, v8, vm1, $0xb8;
	[tilespmem:$0x18C00] =	vst v63  }
0x25e: {  	s9 =	simm.s32 @!p0 $0xE400  }
0x25f: {  	[tilespmem:s9], [sflag:$0x4] =	stream.indirect_vreg.gather @!p0 [hbm4b:s7+s4], $0x80, v8, vm1, $0xb8;
	[tilespmem:$0x18C00] =	vst v63  }
0x260: {  	s9 =	simm.s32 @!p0 $0xEC00  }
0x261: {  	[tilespmem:s9], [sflag:$0x4] =	stream.indirect_vreg.gather @!p0 [hbm4b:s1+s4], $0x80, v7, vm1, $0xb8;
	[tilespmem:$0x18C00] =	vst v63  }
0x262: {  	s9 =	simm.s32 @!p0 $0xF400  }
0x263: {  	[tilespmem:s9], [sflag:$0x4] =	stream.indirect_vreg.gather @!p0 [hbm4b:s5+s4], $0x80, v7, vm1, $0xb8;
	[tilespmem:$0x18C00] =	vst v63  }
0x264: {  	s9 =	simm.s32 @!p0 $0xFC00  }
0x265: {  	[tilespmem:s9], [sflag:$0x4] =	stream.indirect_vreg.gather @!p0 [hbm4b:s6+s4], $0x80, v7, vm1, $0xb8;
	[tilespmem:$0x18C00] =	vst v63  }
0x266: {  	s17 =	sadd.s32 $0x1, s17;
	s9 =	simm.s32 @!p0 $0x10400  }
0x267: {  	[tilespmem:s9], [sflag:$0x4] =	stream.indirect_vreg.gather @!p0 [hbm4b:s7+s4], $0x80, v7, vm1, $0xb8;
	[tilespmem:$0x18C00] =	vst v63  }
0x268: {  	p0 =	sne.s32 s17, $0x8  }
.Ltmp10:
0x269: {  	_ = 	snop;
	(pc) =	sbr.rel @p0 .LBB2_6-.Ltmp10, $4  }
0x26a: {  	_ = 	snop  }
0x26b: {  	s22 =	sshll.u32 s19, $0xA  }
0x26c: {  	s4 =	sadd.s32 s22, s8  }
0x26d: {  	[hbm4b:s4+s3] =	stream.linear.scatter [tilespmem:s0], [sflag:$0x8], $0x2000, $0x38;
	[tilespmem:$0x18C00] =	vst v63  }
0x26e: {  	s4 =	simm.s32 $0x5  }
0x26f: {  	_ =	swait.ge [sflag:s4], $0x2000  }
0x270: {  	[sflag:s4] =	ssyncset.done $0x0  }
0x271: {  	s20 =	simm.s32 $0x6;
	[sflag:s4] =	ssyncadd.s32 $0xFFFFE000  }
0x272: {  	_ =	swait.ge [sflag:s20], $0x2000  }
0x273: {  	[sflag:s20] =	ssyncset.done $0x0  }
0x274: {  	s21 =	simm.s32 $0x7;
	[sflag:s20] =	ssyncadd.s32 $0xFFFFE000  }
0x275: {  	_ =	swait.ge [sflag:s21], $0x2000  }
0x276: {  	[sflag:s21] =	ssyncset.done $0x0  }
0x277: {  	s9 =	simm.s32 $0x8;
	[sflag:s21] =	ssyncadd.s32 $0xFFFFE000  }
0x278: {  	_ =	swait.ge [sflag:s9], $0x2000  }
0x279: {  	s16 =	sadd.s32 $0x1, s16;
	s22 =	rddreg [dreg:$0x5]  }
0x27a: {  	p0 =	sne.s32 s16, s22  }
.Ltmp11:
0x27b: {  	_ = 	snop;
	(pc) =	sbr.rel @p0 .LBB2_1-.Ltmp11, $3  }
0x27c: {  	_ =	sdelay $0x1  }
0x27d: {  	[sflag:s9] =	ssyncset.done $0x0  }
0x27e: {  	[sflag:s9] =	ssyncadd.s32 $0xFFFFE000  }
0x27f: {  	_ =	sfence.sel $0x180000  }
0x280: {  	[bflag:$0x0] =	sbarrier.arrive $0xFFFF  }
0x281: {  	_ =	strace $0x90000047  }
0x282: {  	s0 =	stileid.u32;
	[bflag:$0x2] =	sbarrier.arrive $0xFFFF  }
0x283: {  	p0 =	sne.s32 s0, $0x0;
	s0 =	rddreg [dreg:$0x3]  }
0x284: {  	s0 =	sadd.s32 @!p0 $0x100000, s0  }
0x285: {  	[sflag:s0] =	ssyncadd.tile.s32 @!p0 $0x1;
	_ =	shalt  }
.Lfunc_end2:
_tile_overlayer_lowered:
.L_overlay_start_2:
0x286: {  	(tag) =	ssettag $0x2  }
0x287: {  	s0 =	rddreg [dreg:$0x0];
	s2 =	stileid.u32  }
0x288: {  	s1 =	rddreg [dreg:$0x1];
	p0 =	sne.s32 s2, $0x0  }
0x289: {  	s3 =	rddreg [dreg:$0x2];
	[bflag:$0x3] =	sbarrier.arrive $0xFFFF;
	s2 =	simm.s32 @!p0 $0x1C09  }
0x28a: {  	[timem:s3], [sflag:s2] =	dma.local @!p0 [hbm:s0], s1  }
0x28b: {  	s0 =	simm.s32 @!p0 $0x9  }
0x28c: {  	_ =	swait.ge @!p0 [sflag:s0], s1  }
0x28d: {  	s1 =	ssub.s32 @!p0 $0x0, s1;
	[sflag:s0] =	ssyncset.done @!p0 $0x0  }
0x28e: {  	[sflag:s0] =	ssyncadd.s32 @!p0 s1  }
0x28f: {  	[bflag:$0x3] =	sbarrier.arrive $0xFFFF  }
0x290: {  	_ =	shalt  }

</sc_bundles>
